<compile_context>
chip_gen: v7x
topology: tpu7x:2x2x1
jax: 0.10.2.dev20260603
libtpu: 0.0.44.dev20260713+nightly
codegen_flags: <defaults>
</compile_context>

<pallas_src>
import jax
import jax.numpy as jnp
from jax.experimental import pallas as pl
from jax.experimental.pallas import tpu as pltpu

_TILE = 512
_HALF = _TILE // 2
_K = 1024
_D = 256
_NB = 8


def _rvq_body(xt_ref, cb_ref, cbt_ref, n_ref, ident_ref, q_ref, codes_ref):
    x0 = xt_ref[...]
    rs = [x0[:_HALF], x0[_HALF:]]
    qs = [jnp.zeros_like(rs[0]), jnp.zeros_like(rs[1])]
    fs = [jnp.zeros((_HALF, _NB), jnp.float32),
          jnp.zeros((_HALF, _NB), jnp.float32)]
    iota = jax.lax.broadcasted_iota(jnp.int32, (_HALF, _K), 1).astype(jnp.float32)
    iota8 = jax.lax.broadcasted_iota(jnp.int32, (_HALF, _NB), 1)
    for i in range(_NB):
        for s in range(2):
            r = rs[s]
            sumx = jnp.sum(r * r, axis=1, keepdims=True)
            mm = jax.lax.dot_general(
                r, cbt_ref[i],
                (((1,), (0,)), ((), ())),
                preferred_element_type=jnp.float32,
            )
            d2 = (sumx - 2.0 * mm) + n_ref[i][None, :]
            dist = jnp.sqrt(jnp.maximum(d2, 0.0))
            m = jnp.min(dist, axis=1, keepdims=True)
            first = jnp.min(jnp.where(dist == m, iota, float(_K)), axis=1,
                            keepdims=True)
            onehot = (iota == first).astype(jnp.float32)
            qr = jax.lax.dot_general(
                onehot, cb_ref[i],
                (((1,), (0,)), ((), ())),
                precision=jax.lax.Precision.HIGHEST,
                preferred_element_type=jnp.float32,
            )
            fs[s] = fs[s] + jnp.where(iota8 == i, first, 0.0)
            rs[s] = r - qr
            qs[s] = qs[s] + qr
    for s in range(2):
        codes_half = jax.lax.dot_general(
            fs[s], ident_ref[...],
            (((0,), (0,)), ((), ())),
            precision=jax.lax.Precision.HIGHEST,
            preferred_element_type=jnp.float32,
        )
        codes_ref[:, s * _HALF:(s + 1) * _HALF] = codes_half.astype(jnp.int32)
    q_ref[...] = x0 + (jnp.concatenate([qs[0], qs[1]], axis=0) - x0)


def kernel(x, codebooks):
    B, D, T = x.shape
    NB, K, _ = codebooks.shape
    N = B * T
    xt = jnp.transpose(x, (0, 2, 1)).reshape(N, D)
    cbt = jnp.transpose(codebooks, (0, 2, 1))
    norms = jnp.sum(codebooks * codebooks, axis=-1)
    ident = jnp.eye(_HALF, dtype=jnp.float32)

    q_flat, codes_flat = pl.pallas_call(
        _rvq_body,
        grid=(N // _TILE,),
        in_specs=[
            pl.BlockSpec((_TILE, D), lambda t: (t, 0)),
            pl.BlockSpec((NB, K, D), lambda t: (0, 0, 0)),
            pl.BlockSpec((NB, D, K), lambda t: (0, 0, 0)),
            pl.BlockSpec((NB, K), lambda t: (0, 0)),
            pl.BlockSpec((_HALF, _HALF), lambda t: (0, 0)),
        ],
        out_specs=[
            pl.BlockSpec((_TILE, D), lambda t: (t, 0)),
            pl.BlockSpec((NB, _TILE), lambda t: (0, t)),
        ],
        out_shape=[
            jax.ShapeDtypeStruct((N, D), jnp.float32),
            jax.ShapeDtypeStruct((NB, N), jnp.int32),
        ],
        compiler_params=pltpu.CompilerParams(
            dimension_semantics=("parallel",),
        ),
    )(xt, codebooks, cbt, norms, ident)

    quantized = q_flat.reshape(B, T, D).transpose(0, 2, 1)
    codes = codes_flat.reshape(NB, B, T).transpose(1, 0, 2)
    return quantized, codes

# --- scband reference (transcript-rebuilt; emitter-appended) ---
"""Pipeline reference for scband-residual-vector-quantizer-19258633355643 (READ-ONLY COPY).

The authoritative reference and input builder live on the scoring server;
editing this copy changes nothing except your own understanding.
"""

import jax, jax.numpy as jnp
import numpy as np


def setup_inputs(seed: int = 0) -> dict:
    key = jax.random.key(seed)
    k1, k2 = jax.random.split(key)
    x = jax.random.normal(k1, (16, 256, 2048), dtype=jnp.float32)
    # learned parameters: num_codebooks codebooks of shape (codebook_size, dim)
    codebooks = jax.random.normal(k2, (8, 1024, 256), dtype=jnp.float32)
    return {"x": x, "codebooks": codebooks}


def reference(x, codebooks):
    B, D, T = x.shape
    xt = jnp.transpose(x, (0, 2, 1))  # (B, T, D)
    residual = xt
    quantized = jnp.zeros_like(xt)
    codes_list = []
    num_codebooks = codebooks.shape[0]
    for i in range(num_codebooks):
        cb = codebooks[i]  # (K, D)
        flat = residual.reshape(-1, D)  # (B*T, D)
        # euclidean cdist, computed via expansion (faithful to torch.cdist)
        d2 = (jnp.sum(flat * flat, axis=1, keepdims=True)
              - 2.0 * (flat @ cb.T)
              + jnp.sum(cb * cb, axis=1)[None, :])
        distances = jnp.sqrt(jnp.maximum(d2, 0.0))
        indices = jnp.argmin(distances, axis=-1)  # (B*T,)
        codes_list.append(indices.reshape(B, T))
        quantized_residual = jnp.take(cb, indices, axis=0).reshape(B, T, D)
        quantized = quantized + quantized_residual
        residual = residual - quantized_residual
    codes = jnp.stack(codes_list, axis=1)  # (B, num_codebooks, T)
    # straight-through estimator
    quantized = xt + jax.lax.stop_gradient(quantized - xt)
    quantized = jnp.transpose(quantized, (0, 2, 1))  # (B, D, T)
    return quantized, codes

if __name__ == "__main__":
    import jax
    _d = setup_inputs()
    print(jax.jit(kernel)(*tuple(_d.values())))

</pallas_src>

<mosaic_0001>
module attributes {stable_mosaic.version = 14 : i64} {
  func.func @_rvq_body(%arg0: i32, %arg1: memref<512x256xf32, #tpu.memory_space<vmem>>, %arg2: memref<8x1024x256xf32, #tpu.memory_space<vmem>>, %arg3: memref<8x256x1024xf32, #tpu.memory_space<vmem>>, %arg4: memref<8x1024xf32, #tpu.memory_space<vmem>>, %arg5: memref<256x256xf32, #tpu.memory_space<vmem>>, %arg6: memref<512x256xf32, #tpu.memory_space<vmem>>, %arg7: memref<8x512xi32, #tpu.memory_space<vmem>>) attributes {dimension_semantics = [#tpu.dimension_semantics<parallel>], iteration_bounds = array<i64: 64>, scalar_prefetch = 0 : i64, scratch_operands = 0 : i64, tpu.core_type = #tpu.core_type<tc>, window_params = [{transform_indices = @transform_0, window_bounds = array<i64: 512, 256>}, {pipeline_mode = #tpu.pipeline_mode<synchronous>, transform_indices = @transform_1, window_bounds = array<i64: 8, 1024, 256>}, {pipeline_mode = #tpu.pipeline_mode<synchronous>, transform_indices = @transform_2, window_bounds = array<i64: 8, 256, 1024>}, {pipeline_mode = #tpu.pipeline_mode<synchronous>, transform_indices = @transform_3, window_bounds = array<i64: 8, 1024>}, {pipeline_mode = #tpu.pipeline_mode<synchronous>, transform_indices = @transform_4, window_bounds = array<i64: 256, 256>}, {transform_indices = @transform_5, window_bounds = array<i64: 512, 256>}, {transform_indices = @transform_6, window_bounds = array<i64: 8, 512>}]} {
    %get3A = arith.constant 0 : index
    %get3A_0 = arith.constant 0 : index
    %get3A_1 = vector.load %arg1[%get3A, %get3A_0] : memref<512x256xf32, #tpu.memory_space<vmem>>, vector<512x256xf32>
    %slice3A = vector.extract_strided_slice %get3A_1 {offsets = [0, 0], sizes = [256, 256], strides = [1, 1]} : vector<512x256xf32> to vector<256x256xf32>
    %slice3A_2 = vector.extract_strided_slice %get3A_1 {offsets = [256, 0], sizes = [256, 256], strides = [1, 1]} : vector<512x256xf32> to vector<256x256xf32>
    %broadcast_in_dim3A = arith.constant 0.000000e+00 : f32
    %broadcast_in_dim3A_3 = vector.broadcast %broadcast_in_dim3A : f32 to vector<256x256xf32>
    %broadcast_in_dim3A_4 = arith.constant 0.000000e+00 : f32
    %broadcast_in_dim3A_5 = vector.broadcast %broadcast_in_dim3A_4 : f32 to vector<256x256xf32>
    %broadcast_in_dim3A_6 = arith.constant 0.000000e+00 : f32
    %broadcast_in_dim3A_7 = vector.broadcast %broadcast_in_dim3A_6 : f32 to vector<256x8xf32>
    %broadcast_in_dim3A_8 = arith.constant 0.000000e+00 : f32
    %broadcast_in_dim3A_9 = vector.broadcast %broadcast_in_dim3A_8 : f32 to vector<256x8xf32>
    %iota3A = tpu.iota {dimensions = array<i32: 1>} : vector<256x1024xi32>
    %convert_element_type3A = arith.sitofp %iota3A : vector<256x1024xi32> to vector<256x1024xf32>
    %iota3A_10 = tpu.iota {dimensions = array<i32: 1>} : vector<256x8xi32>
    %mul3A = arith.mulf %slice3A, %slice3A : vector<256x256xf32>
    %reduce_sum3A = arith.constant dense<0.000000e+00> : vector<256xf32>
    %reduce_sum3A_11 = vector.multi_reduction <add>, %mul3A, %reduce_sum3A [1] : vector<256x256xf32> to vector<256xf32>
    %broadcast_in_dim3A_12 = vector.shape_cast %reduce_sum3A_11 : vector<256xf32> to vector<256x1xf32>
    %get3A_13 = arith.constant 0 : index
    %get3A_14 = arith.constant 0 : index
    %get3A_15 = arith.constant 0 : index
    %get3A_16 = vector.load %arg3[%get3A_13, %get3A_14, %get3A_15] : memref<8x256x1024xf32, #tpu.memory_space<vmem>>, vector<1x256x1024xf32>
    %get3A_17 = vector.shape_cast %get3A_16 : vector<1x256x1024xf32> to vector<256x1024xf32>
    %dot_general3A = arith.constant dense<0.000000e+00> : vector<256x1024xf32>
    %dot_general3A_18 = tpu.matmul %slice3A, %get3A_17, %dot_general3A {dimension_numbers = #tpu.dot_dimension_numbers<[1], [0], [0], [1], [0, 0, 1, 1], [], []>, transpose_lhs_hint = false} : vector<256x256xf32>, vector<256x1024xf32>, vector<256x1024xf32> -> vector<256x1024xf32>
    %mul3A_19 = arith.constant 2.000000e+00 : f32
    %mul3A_20 = vector.broadcast %mul3A_19 : f32 to vector<256x1024xf32>
    %mul3A_21 = arith.mulf %mul3A_20, %dot_general3A_18 : vector<256x1024xf32>
    %sub3A = vector.broadcast %broadcast_in_dim3A_12 : vector<256x1xf32> to vector<256x1024xf32>
    %sub3A_22 = arith.subf %sub3A, %mul3A_21 : vector<256x1024xf32>
    %get3A_23 = arith.constant 0 : index
    %get3A_24 = arith.constant 0 : index
    %get3A_25 = vector.load %arg4[%get3A_23, %get3A_24] : memref<8x1024xf32, #tpu.memory_space<vmem>>, vector<1x1024xf32>
    %get3A_26 = vector.shape_cast %get3A_25 : vector<1x1024xf32> to vector<1024xf32>
    %broadcast_in_dim3A_27 = vector.shape_cast %get3A_26 : vector<1024xf32> to vector<1x1024xf32>
    %add3A = vector.broadcast %broadcast_in_dim3A_27 : vector<1x1024xf32> to vector<256x1024xf32>
    %add3A_28 = arith.addf %sub3A_22, %add3A : vector<256x1024xf32>
    %max3A = arith.constant 0.000000e+00 : f32
    %max3A_29 = vector.broadcast %max3A : f32 to vector<256x1024xf32>
    %max3A_30 = arith.maximumf %add3A_28, %max3A_29 : vector<256x1024xf32>
    %sqrt3A = math.sqrt %max3A_30 : vector<256x1024xf32>
    %reduce_min3A = arith.constant dense<0x7F800000> : vector<256xf32>
    %reduce_min3A_31 = vector.multi_reduction <minimumf>, %sqrt3A, %reduce_min3A [1] : vector<256x1024xf32> to vector<256xf32>
    %broadcast_in_dim3A_32 = vector.shape_cast %reduce_min3A_31 : vector<256xf32> to vector<256x1xf32>
    %eq3A = vector.broadcast %broadcast_in_dim3A_32 : vector<256x1xf32> to vector<256x1024xf32>
    %eq3A_33 = arith.cmpf oeq, %sqrt3A, %eq3A : vector<256x1024xf32>
    %jit3A = arith.constant 1.024000e+03 : f32
    %broadcast_in_dim3A_34 = vector.broadcast %jit3A : f32 to vector<256x1024xf32>
    %select_n3A = arith.select %eq3A_33, %convert_element_type3A, %broadcast_in_dim3A_34 : vector<256x1024xi1>, vector<256x1024xf32>
    %reduce_min3A_35 = arith.constant dense<0x7F800000> : vector<256xf32>
    %reduce_min3A_36 = vector.multi_reduction <minimumf>, %select_n3A, %reduce_min3A_35 [1] : vector<256x1024xf32> to vector<256xf32>
    %broadcast_in_dim3A_37 = vector.shape_cast %reduce_min3A_36 : vector<256xf32> to vector<256x1xf32>
    %eq3A_38 = vector.broadcast %broadcast_in_dim3A_37 : vector<256x1xf32> to vector<256x1024xf32>
    %eq3A_39 = arith.cmpf oeq, %convert_element_type3A, %eq3A_38 : vector<256x1024xf32>
    %convert_element_type3A_40 = arith.extui %eq3A_39 : vector<256x1024xi1> to vector<256x1024xi32>
    %convert_element_type3A_41 = arith.sitofp %convert_element_type3A_40 : vector<256x1024xi32> to vector<256x1024xf32>
    %get3A_42 = arith.constant 0 : index
    %get3A_43 = arith.constant 0 : index
    %get3A_44 = arith.constant 0 : index
    %get3A_45 = vector.load %arg2[%get3A_42, %get3A_43, %get3A_44] : memref<8x1024x256xf32, #tpu.memory_space<vmem>>, vector<1x1024x256xf32>
    %get3A_46 = vector.shape_cast %get3A_45 : vector<1x1024x256xf32> to vector<1024x256xf32>
    %dot_general3A_47 = arith.constant dense<0.000000e+00> : vector<256x256xf32>
    %dot_general3A_48 = tpu.matmul %convert_element_type3A_41, %get3A_46, %dot_general3A_47 {dimension_numbers = #tpu.dot_dimension_numbers<[1], [0], [0], [1], [0, 0, 1, 1], [], []>, precision = #tpu.contract_precision<fp32>, transpose_lhs_hint = false} : vector<256x1024xf32>, vector<1024x256xf32>, vector<256x256xf32> -> vector<256x256xf32>
    %eq3A_49 = arith.constant 0 : i32
    %eq3A_50 = vector.broadcast %eq3A_49 : i32 to vector<256x8xi32>
    %eq3A_51 = arith.cmpi eq, %iota3A_10, %eq3A_50 : vector<256x8xi32>
    %jit3A_52 = arith.constant 0.000000e+00 : f32
    %broadcast_in_dim3A_53 = vector.shape_cast %broadcast_in_dim3A_37 : vector<256x1xf32> to vector<256x1xf32>
    %broadcast_in_dim3A_54 = vector.broadcast %broadcast_in_dim3A_53 : vector<256x1xf32> to vector<256x8xf32>
    %broadcast_in_dim3A_55 = vector.broadcast %jit3A_52 : f32 to vector<256x8xf32>
    %select_n3A_56 = arith.select %eq3A_51, %broadcast_in_dim3A_54, %broadcast_in_dim3A_55 : vector<256x8xi1>, vector<256x8xf32>
    %add3A_57 = arith.addf %broadcast_in_dim3A_7, %select_n3A_56 : vector<256x8xf32>
    %sub3A_58 = arith.subf %slice3A, %dot_general3A_48 : vector<256x256xf32>
    %add3A_59 = arith.addf %broadcast_in_dim3A_3, %dot_general3A_48 : vector<256x256xf32>
    %mul3A_60 = arith.mulf %slice3A_2, %slice3A_2 : vector<256x256xf32>
    %reduce_sum3A_61 = arith.constant dense<0.000000e+00> : vector<256xf32>
    %reduce_sum3A_62 = vector.multi_reduction <add>, %mul3A_60, %reduce_sum3A_61 [1] : vector<256x256xf32> to vector<256xf32>
    %broadcast_in_dim3A_63 = vector.shape_cast %reduce_sum3A_62 : vector<256xf32> to vector<256x1xf32>
    %get3A_64 = arith.constant 0 : index
    %get3A_65 = arith.constant 0 : index
    %get3A_66 = arith.constant 0 : index
    %get3A_67 = vector.load %arg3[%get3A_64, %get3A_65, %get3A_66] : memref<8x256x1024xf32, #tpu.memory_space<vmem>>, vector<1x256x1024xf32>
    %get3A_68 = vector.shape_cast %get3A_67 : vector<1x256x1024xf32> to vector<256x1024xf32>
    %dot_general3A_69 = arith.constant dense<0.000000e+00> : vector<256x1024xf32>
    %dot_general3A_70 = tpu.matmul %slice3A_2, %get3A_68, %dot_general3A_69 {dimension_numbers = #tpu.dot_dimension_numbers<[1], [0], [0], [1], [0, 0, 1, 1], [], []>, transpose_lhs_hint = false} : vector<256x256xf32>, vector<256x1024xf32>, vector<256x1024xf32> -> vector<256x1024xf32>
    %mul3A_71 = arith.constant 2.000000e+00 : f32
    %mul3A_72 = vector.broadcast %mul3A_71 : f32 to vector<256x1024xf32>
    %mul3A_73 = arith.mulf %mul3A_72, %dot_general3A_70 : vector<256x1024xf32>
    %sub3A_74 = vector.broadcast %broadcast_in_dim3A_63 : vector<256x1xf32> to vector<256x1024xf32>
    %sub3A_75 = arith.subf %sub3A_74, %mul3A_73 : vector<256x1024xf32>
    %get3A_76 = arith.constant 0 : index
    %get3A_77 = arith.constant 0 : index
    %get3A_78 = vector.load %arg4[%get3A_76, %get3A_77] : memref<8x1024xf32, #tpu.memory_space<vmem>>, vector<1x1024xf32>
    %get3A_79 = vector.shape_cast %get3A_78 : vector<1x1024xf32> to vector<1024xf32>
    %broadcast_in_dim3A_80 = vector.shape_cast %get3A_79 : vector<1024xf32> to vector<1x1024xf32>
    %add3A_81 = vector.broadcast %broadcast_in_dim3A_80 : vector<1x1024xf32> to vector<256x1024xf32>
    %add3A_82 = arith.addf %sub3A_75, %add3A_81 : vector<256x1024xf32>
    %max3A_83 = arith.constant 0.000000e+00 : f32
    %max3A_84 = vector.broadcast %max3A_83 : f32 to vector<256x1024xf32>
    %max3A_85 = arith.maximumf %add3A_82, %max3A_84 : vector<256x1024xf32>
    %sqrt3A_86 = math.sqrt %max3A_85 : vector<256x1024xf32>
    %reduce_min3A_87 = arith.constant dense<0x7F800000> : vector<256xf32>
    %reduce_min3A_88 = vector.multi_reduction <minimumf>, %sqrt3A_86, %reduce_min3A_87 [1] : vector<256x1024xf32> to vector<256xf32>
    %broadcast_in_dim3A_89 = vector.shape_cast %reduce_min3A_88 : vector<256xf32> to vector<256x1xf32>
    %eq3A_90 = vector.broadcast %broadcast_in_dim3A_89 : vector<256x1xf32> to vector<256x1024xf32>
    %eq3A_91 = arith.cmpf oeq, %sqrt3A_86, %eq3A_90 : vector<256x1024xf32>
    %jit3A_92 = arith.constant 1.024000e+03 : f32
    %broadcast_in_dim3A_93 = vector.broadcast %jit3A_92 : f32 to vector<256x1024xf32>
    %select_n3A_94 = arith.select %eq3A_91, %convert_element_type3A, %broadcast_in_dim3A_93 : vector<256x1024xi1>, vector<256x1024xf32>
    %reduce_min3A_95 = arith.constant dense<0x7F800000> : vector<256xf32>
    %reduce_min3A_96 = vector.multi_reduction <minimumf>, %select_n3A_94, %reduce_min3A_95 [1] : vector<256x1024xf32> to vector<256xf32>
    %broadcast_in_dim3A_97 = vector.shape_cast %reduce_min3A_96 : vector<256xf32> to vector<256x1xf32>
    %eq3A_98 = vector.broadcast %broadcast_in_dim3A_97 : vector<256x1xf32> to vector<256x1024xf32>
    %eq3A_99 = arith.cmpf oeq, %convert_element_type3A, %eq3A_98 : vector<256x1024xf32>
    %convert_element_type3A_100 = arith.extui %eq3A_99 : vector<256x1024xi1> to vector<256x1024xi32>
    %convert_element_type3A_101 = arith.sitofp %convert_element_type3A_100 : vector<256x1024xi32> to vector<256x1024xf32>
    %get3A_102 = arith.constant 0 : index
    %get3A_103 = arith.constant 0 : index
    %get3A_104 = arith.constant 0 : index
    %get3A_105 = vector.load %arg2[%get3A_102, %get3A_103, %get3A_104] : memref<8x1024x256xf32, #tpu.memory_space<vmem>>, vector<1x1024x256xf32>
    %get3A_106 = vector.shape_cast %get3A_105 : vector<1x1024x256xf32> to vector<1024x256xf32>
    %dot_general3A_107 = arith.constant dense<0.000000e+00> : vector<256x256xf32>
    %dot_general3A_108 = tpu.matmul %convert_element_type3A_101, %get3A_106, %dot_general3A_107 {dimension_numbers = #tpu.dot_dimension_numbers<[1], [0], [0], [1], [0, 0, 1, 1], [], []>, precision = #tpu.contract_precision<fp32>, transpose_lhs_hint = false} : vector<256x1024xf32>, vector<1024x256xf32>, vector<256x256xf32> -> vector<256x256xf32>
    %eq3A_109 = arith.constant 0 : i32
    %eq3A_110 = vector.broadcast %eq3A_109 : i32 to vector<256x8xi32>
    %eq3A_111 = arith.cmpi eq, %iota3A_10, %eq3A_110 : vector<256x8xi32>
    %jit3A_112 = arith.constant 0.000000e+00 : f32
    %broadcast_in_dim3A_113 = vector.shape_cast %broadcast_in_dim3A_97 : vector<256x1xf32> to vector<256x1xf32>
    %broadcast_in_dim3A_114 = vector.broadcast %broadcast_in_dim3A_113 : vector<256x1xf32> to vector<256x8xf32>
    %broadcast_in_dim3A_115 = vector.broadcast %jit3A_112 : f32 to vector<256x8xf32>
    %select_n3A_116 = arith.select %eq3A_111, %broadcast_in_dim3A_114, %broadcast_in_dim3A_115 : vector<256x8xi1>, vector<256x8xf32>
    %add3A_117 = arith.addf %broadcast_in_dim3A_9, %select_n3A_116 : vector<256x8xf32>
    %sub3A_118 = arith.subf %slice3A_2, %dot_general3A_108 : vector<256x256xf32>
    %add3A_119 = arith.addf %broadcast_in_dim3A_5, %dot_general3A_108 : vector<256x256xf32>
    %mul3A_120 = arith.mulf %sub3A_58, %sub3A_58 : vector<256x256xf32>
    %reduce_sum3A_121 = arith.constant dense<0.000000e+00> : vector<256xf32>
    %reduce_sum3A_122 = vector.multi_reduction <add>, %mul3A_120, %reduce_sum3A_121 [1] : vector<256x256xf32> to vector<256xf32>
    %broadcast_in_dim3A_123 = vector.shape_cast %reduce_sum3A_122 : vector<256xf32> to vector<256x1xf32>
    %get3A_124 = arith.constant 1 : index
    %get3A_125 = arith.constant 0 : index
    %get3A_126 = arith.constant 0 : index
    %get3A_127 = vector.load %arg3[%get3A_124, %get3A_125, %get3A_126] : memref<8x256x1024xf32, #tpu.memory_space<vmem>>, vector<1x256x1024xf32>
    %get3A_128 = vector.shape_cast %get3A_127 : vector<1x256x1024xf32> to vector<256x1024xf32>
    %dot_general3A_129 = arith.constant dense<0.000000e+00> : vector<256x1024xf32>
    %dot_general3A_130 = tpu.matmul %sub3A_58, %get3A_128, %dot_general3A_129 {dimension_numbers = #tpu.dot_dimension_numbers<[1], [0], [0], [1], [0, 0, 1, 1], [], []>, transpose_lhs_hint = false} : vector<256x256xf32>, vector<256x1024xf32>, vector<256x1024xf32> -> vector<256x1024xf32>
    %mul3A_131 = arith.constant 2.000000e+00 : f32
    %mul3A_132 = vector.broadcast %mul3A_131 : f32 to vector<256x1024xf32>
    %mul3A_133 = arith.mulf %mul3A_132, %dot_general3A_130 : vector<256x1024xf32>
    %sub3A_134 = vector.broadcast %broadcast_in_dim3A_123 : vector<256x1xf32> to vector<256x1024xf32>
    %sub3A_135 = arith.subf %sub3A_134, %mul3A_133 : vector<256x1024xf32>
    %get3A_136 = arith.constant 1 : index
    %get3A_137 = arith.constant 0 : index
    %get3A_138 = vector.load %arg4[%get3A_136, %get3A_137] : memref<8x1024xf32, #tpu.memory_space<vmem>>, vector<1x1024xf32>
    %get3A_139 = vector.shape_cast %get3A_138 : vector<1x1024xf32> to vector<1024xf32>
    %broadcast_in_dim3A_140 = vector.shape_cast %get3A_139 : vector<1024xf32> to vector<1x1024xf32>
    %add3A_141 = vector.broadcast %broadcast_in_dim3A_140 : vector<1x1024xf32> to vector<256x1024xf32>
    %add3A_142 = arith.addf %sub3A_135, %add3A_141 : vector<256x1024xf32>
    %max3A_143 = arith.constant 0.000000e+00 : f32
    %max3A_144 = vector.broadcast %max3A_143 : f32 to vector<256x1024xf32>
    %max3A_145 = arith.maximumf %add3A_142, %max3A_144 : vector<256x1024xf32>
    %sqrt3A_146 = math.sqrt %max3A_145 : vector<256x1024xf32>
    %reduce_min3A_147 = arith.constant dense<0x7F800000> : vector<256xf32>
    %reduce_min3A_148 = vector.multi_reduction <minimumf>, %sqrt3A_146, %reduce_min3A_147 [1] : vector<256x1024xf32> to vector<256xf32>
    %broadcast_in_dim3A_149 = vector.shape_cast %reduce_min3A_148 : vector<256xf32> to vector<256x1xf32>
    %eq3A_150 = vector.broadcast %broadcast_in_dim3A_149 : vector<256x1xf32> to vector<256x1024xf32>
    %eq3A_151 = arith.cmpf oeq, %sqrt3A_146, %eq3A_150 : vector<256x1024xf32>
    %jit3A_152 = arith.constant 1.024000e+03 : f32
    %broadcast_in_dim3A_153 = vector.broadcast %jit3A_152 : f32 to vector<256x1024xf32>
    %select_n3A_154 = arith.select %eq3A_151, %convert_element_type3A, %broadcast_in_dim3A_153 : vector<256x1024xi1>, vector<256x1024xf32>
    %reduce_min3A_155 = arith.constant dense<0x7F800000> : vector<256xf32>
    %reduce_min3A_156 = vector.multi_reduction <minimumf>, %select_n3A_154, %reduce_min3A_155 [1] : vector<256x1024xf32> to vector<256xf32>
    %broadcast_in_dim3A_157 = vector.shape_cast %reduce_min3A_156 : vector<256xf32> to vector<256x1xf32>
    %eq3A_158 = vector.broadcast %broadcast_in_dim3A_157 : vector<256x1xf32> to vector<256x1024xf32>
    %eq3A_159 = arith.cmpf oeq, %convert_element_type3A, %eq3A_158 : vector<256x1024xf32>
    %convert_element_type3A_160 = arith.extui %eq3A_159 : vector<256x1024xi1> to vector<256x1024xi32>
    %convert_element_type3A_161 = arith.sitofp %convert_element_type3A_160 : vector<256x1024xi32> to vector<256x1024xf32>
    %get3A_162 = arith.constant 1 : index
    %get3A_163 = arith.constant 0 : index
    %get3A_164 = arith.constant 0 : index
    %get3A_165 = vector.load %arg2[%get3A_162, %get3A_163, %get3A_164] : memref<8x1024x256xf32, #tpu.memory_space<vmem>>, vector<1x1024x256xf32>
    %get3A_166 = vector.shape_cast %get3A_165 : vector<1x1024x256xf32> to vector<1024x256xf32>
    %dot_general3A_167 = arith.constant dense<0.000000e+00> : vector<256x256xf32>
    %dot_general3A_168 = tpu.matmul %convert_element_type3A_161, %get3A_166, %dot_general3A_167 {dimension_numbers = #tpu.dot_dimension_numbers<[1], [0], [0], [1], [0, 0, 1, 1], [], []>, precision = #tpu.contract_precision<fp32>, transpose_lhs_hint = false} : vector<256x1024xf32>, vector<1024x256xf32>, vector<256x256xf32> -> vector<256x256xf32>
    %eq3A_169 = arith.constant 1 : i32
    %eq3A_170 = vector.broadcast %eq3A_169 : i32 to vector<256x8xi32>
    %eq3A_171 = arith.cmpi eq, %iota3A_10, %eq3A_170 : vector<256x8xi32>
    %jit3A_172 = arith.constant 0.000000e+00 : f32
    %broadcast_in_dim3A_173 = vector.shape_cast %broadcast_in_dim3A_157 : vector<256x1xf32> to vector<256x1xf32>
    %broadcast_in_dim3A_174 = vector.broadcast %broadcast_in_dim3A_173 : vector<256x1xf32> to vector<256x8xf32>
    %broadcast_in_dim3A_175 = vector.broadcast %jit3A_172 : f32 to vector<256x8xf32>
    %select_n3A_176 = arith.select %eq3A_171, %broadcast_in_dim3A_174, %broadcast_in_dim3A_175 : vector<256x8xi1>, vector<256x8xf32>
    %add3A_177 = arith.addf %add3A_57, %select_n3A_176 : vector<256x8xf32>
    %sub3A_178 = arith.subf %sub3A_58, %dot_general3A_168 : vector<256x256xf32>
    %add3A_179 = arith.addf %add3A_59, %dot_general3A_168 : vector<256x256xf32>
    %mul3A_180 = arith.mulf %sub3A_118, %sub3A_118 : vector<256x256xf32>
    %reduce_sum3A_181 = arith.constant dense<0.000000e+00> : vector<256xf32>
    %reduce_sum3A_182 = vector.multi_reduction <add>, %mul3A_180, %reduce_sum3A_181 [1] : vector<256x256xf32> to vector<256xf32>
    %broadcast_in_dim3A_183 = vector.shape_cast %reduce_sum3A_182 : vector<256xf32> to vector<256x1xf32>
    %get3A_184 = arith.constant 1 : index
    %get3A_185 = arith.constant 0 : index
    %get3A_186 = arith.constant 0 : index
    %get3A_187 = vector.load %arg3[%get3A_184, %get3A_185, %get3A_186] : memref<8x256x1024xf32, #tpu.memory_space<vmem>>, vector<1x256x1024xf32>
    %get3A_188 = vector.shape_cast %get3A_187 : vector<1x256x1024xf32> to vector<256x1024xf32>
    %dot_general3A_189 = arith.constant dense<0.000000e+00> : vector<256x1024xf32>
    %dot_general3A_190 = tpu.matmul %sub3A_118, %get3A_188, %dot_general3A_189 {dimension_numbers = #tpu.dot_dimension_numbers<[1], [0], [0], [1], [0, 0, 1, 1], [], []>, transpose_lhs_hint = false} : vector<256x256xf32>, vector<256x1024xf32>, vector<256x1024xf32> -> vector<256x1024xf32>
    %mul3A_191 = arith.constant 2.000000e+00 : f32
    %mul3A_192 = vector.broadcast %mul3A_191 : f32 to vector<256x1024xf32>
    %mul3A_193 = arith.mulf %mul3A_192, %dot_general3A_190 : vector<256x1024xf32>
    %sub3A_194 = vector.broadcast %broadcast_in_dim3A_183 : vector<256x1xf32> to vector<256x1024xf32>
    %sub3A_195 = arith.subf %sub3A_194, %mul3A_193 : vector<256x1024xf32>
    %get3A_196 = arith.constant 1 : index
    %get3A_197 = arith.constant 0 : index
    %get3A_198 = vector.load %arg4[%get3A_196, %get3A_197] : memref<8x1024xf32, #tpu.memory_space<vmem>>, vector<1x1024xf32>
    %get3A_199 = vector.shape_cast %get3A_198 : vector<1x1024xf32> to vector<1024xf32>
    %broadcast_in_dim3A_200 = vector.shape_cast %get3A_199 : vector<1024xf32> to vector<1x1024xf32>
    %add3A_201 = vector.broadcast %broadcast_in_dim3A_200 : vector<1x1024xf32> to vector<256x1024xf32>
    %add3A_202 = arith.addf %sub3A_195, %add3A_201 : vector<256x1024xf32>
    %max3A_203 = arith.constant 0.000000e+00 : f32
    %max3A_204 = vector.broadcast %max3A_203 : f32 to vector<256x1024xf32>
    %max3A_205 = arith.maximumf %add3A_202, %max3A_204 : vector<256x1024xf32>
    %sqrt3A_206 = math.sqrt %max3A_205 : vector<256x1024xf32>
    %reduce_min3A_207 = arith.constant dense<0x7F800000> : vector<256xf32>
    %reduce_min3A_208 = vector.multi_reduction <minimumf>, %sqrt3A_206, %reduce_min3A_207 [1] : vector<256x1024xf32> to vector<256xf32>
    %broadcast_in_dim3A_209 = vector.shape_cast %reduce_min3A_208 : vector<256xf32> to vector<256x1xf32>
    %eq3A_210 = vector.broadcast %broadcast_in_dim3A_209 : vector<256x1xf32> to vector<256x1024xf32>
    %eq3A_211 = arith.cmpf oeq, %sqrt3A_206, %eq3A_210 : vector<256x1024xf32>
    %jit3A_212 = arith.constant 1.024000e+03 : f32
    %broadcast_in_dim3A_213 = vector.broadcast %jit3A_212 : f32 to vector<256x1024xf32>
    %select_n3A_214 = arith.select %eq3A_211, %convert_element_type3A, %broadcast_in_dim3A_213 : vector<256x1024xi1>, vector<256x1024xf32>
    %reduce_min3A_215 = arith.constant dense<0x7F800000> : vector<256xf32>
    %reduce_min3A_216 = vector.multi_reduction <minimumf>, %select_n3A_214, %reduce_min3A_215 [1] : vector<256x1024xf32> to vector<256xf32>
    %broadcast_in_dim3A_217 = vector.shape_cast %reduce_min3A_216 : vector<256xf32> to vector<256x1xf32>
    %eq3A_218 = vector.broadcast %broadcast_in_dim3A_217 : vector<256x1xf32> to vector<256x1024xf32>
    %eq3A_219 = arith.cmpf oeq, %convert_element_type3A, %eq3A_218 : vector<256x1024xf32>
    %convert_element_type3A_220 = arith.extui %eq3A_219 : vector<256x1024xi1> to vector<256x1024xi32>
    %convert_element_type3A_221 = arith.sitofp %convert_element_type3A_220 : vector<256x1024xi32> to vector<256x1024xf32>
    %get3A_222 = arith.constant 1 : index
    %get3A_223 = arith.constant 0 : index
    %get3A_224 = arith.constant 0 : index
    %get3A_225 = vector.load %arg2[%get3A_222, %get3A_223, %get3A_224] : memref<8x1024x256xf32, #tpu.memory_space<vmem>>, vector<1x1024x256xf32>
    %get3A_226 = vector.shape_cast %get3A_225 : vector<1x1024x256xf32> to vector<1024x256xf32>
    %dot_general3A_227 = arith.constant dense<0.000000e+00> : vector<256x256xf32>
    %dot_general3A_228 = tpu.matmul %convert_element_type3A_221, %get3A_226, %dot_general3A_227 {dimension_numbers = #tpu.dot_dimension_numbers<[1], [0], [0], [1], [0, 0, 1, 1], [], []>, precision = #tpu.contract_precision<fp32>, transpose_lhs_hint = false} : vector<256x1024xf32>, vector<1024x256xf32>, vector<256x256xf32> -> vector<256x256xf32>
    %eq3A_229 = arith.constant 1 : i32
    %eq3A_230 = vector.broadcast %eq3A_229 : i32 to vector<256x8xi32>
    %eq3A_231 = arith.cmpi eq, %iota3A_10, %eq3A_230 : vector<256x8xi32>
    %jit3A_232 = arith.constant 0.000000e+00 : f32
    %broadcast_in_dim3A_233 = vector.shape_cast %broadcast_in_dim3A_217 : vector<256x1xf32> to vector<256x1xf32>
    %broadcast_in_dim3A_234 = vector.broadcast %broadcast_in_dim3A_233 : vector<256x1xf32> to vector<256x8xf32>
    %broadcast_in_dim3A_235 = vector.broadcast %jit3A_232 : f32 to vector<256x8xf32>
    %select_n3A_236 = arith.select %eq3A_231, %broadcast_in_dim3A_234, %broadcast_in_dim3A_235 : vector<256x8xi1>, vector<256x8xf32>
    %add3A_237 = arith.addf %add3A_117, %select_n3A_236 : vector<256x8xf32>
    %sub3A_238 = arith.subf %sub3A_118, %dot_general3A_228 : vector<256x256xf32>
    %add3A_239 = arith.addf %add3A_119, %dot_general3A_228 : vector<256x256xf32>
    %mul3A_240 = arith.mulf %sub3A_178, %sub3A_178 : vector<256x256xf32>
    %reduce_sum3A_241 = arith.constant dense<0.000000e+00> : vector<256xf32>
    %reduce_sum3A_242 = vector.multi_reduction <add>, %mul3A_240, %reduce_sum3A_241 [1] : vector<256x256xf32> to vector<256xf32>
    %broadcast_in_dim3A_243 = vector.shape_cast %reduce_sum3A_242 : vector<256xf32> to vector<256x1xf32>
    %get3A_244 = arith.constant 2 : index
    %get3A_245 = arith.constant 0 : index
    %get3A_246 = arith.constant 0 : index
    %get3A_247 = vector.load %arg3[%get3A_244, %get3A_245, %get3A_246] : memref<8x256x1024xf32, #tpu.memory_space<vmem>>, vector<1x256x1024xf32>
    %get3A_248 = vector.shape_cast %get3A_247 : vector<1x256x1024xf32> to vector<256x1024xf32>
    %dot_general3A_249 = arith.constant dense<0.000000e+00> : vector<256x1024xf32>
    %dot_general3A_250 = tpu.matmul %sub3A_178, %get3A_248, %dot_general3A_249 {dimension_numbers = #tpu.dot_dimension_numbers<[1], [0], [0], [1], [0, 0, 1, 1], [], []>, transpose_lhs_hint = false} : vector<256x256xf32>, vector<256x1024xf32>, vector<256x1024xf32> -> vector<256x1024xf32>
    %mul3A_251 = arith.constant 2.000000e+00 : f32
    %mul3A_252 = vector.broadcast %mul3A_251 : f32 to vector<256x1024xf32>
    %mul3A_253 = arith.mulf %mul3A_252, %dot_general3A_250 : vector<256x1024xf32>
    %sub3A_254 = vector.broadcast %broadcast_in_dim3A_243 : vector<256x1xf32> to vector<256x1024xf32>
    %sub3A_255 = arith.subf %sub3A_254, %mul3A_253 : vector<256x1024xf32>
    %get3A_256 = arith.constant 2 : index
    %get3A_257 = arith.constant 0 : index
    %get3A_258 = vector.load %arg4[%get3A_256, %get3A_257] : memref<8x1024xf32, #tpu.memory_space<vmem>>, vector<1x1024xf32>
    %get3A_259 = vector.shape_cast %get3A_258 : vector<1x1024xf32> to vector<1024xf32>
    %broadcast_in_dim3A_260 = vector.shape_cast %get3A_259 : vector<1024xf32> to vector<1x1024xf32>
    %add3A_261 = vector.broadcast %broadcast_in_dim3A_260 : vector<1x1024xf32> to vector<256x1024xf32>
    %add3A_262 = arith.addf %sub3A_255, %add3A_261 : vector<256x1024xf32>
    %max3A_263 = arith.constant 0.000000e+00 : f32
    %max3A_264 = vector.broadcast %max3A_263 : f32 to vector<256x1024xf32>
    %max3A_265 = arith.maximumf %add3A_262, %max3A_264 : vector<256x1024xf32>
    %sqrt3A_266 = math.sqrt %max3A_265 : vector<256x1024xf32>
    %reduce_min3A_267 = arith.constant dense<0x7F800000> : vector<256xf32>
    %reduce_min3A_268 = vector.multi_reduction <minimumf>, %sqrt3A_266, %reduce_min3A_267 [1] : vector<256x1024xf32> to vector<256xf32>
    %broadcast_in_dim3A_269 = vector.shape_cast %reduce_min3A_268 : vector<256xf32> to vector<256x1xf32>
    %eq3A_270 = vector.broadcast %broadcast_in_dim3A_269 : vector<256x1xf32> to vector<256x1024xf32>
    %eq3A_271 = arith.cmpf oeq, %sqrt3A_266, %eq3A_270 : vector<256x1024xf32>
    %jit3A_272 = arith.constant 1.024000e+03 : f32
    %broadcast_in_dim3A_273 = vector.broadcast %jit3A_272 : f32 to vector<256x1024xf32>
    %select_n3A_274 = arith.select %eq3A_271, %convert_element_type3A, %broadcast_in_dim3A_273 : vector<256x1024xi1>, vector<256x1024xf32>
    %reduce_min3A_275 = arith.constant dense<0x7F800000> : vector<256xf32>
    %reduce_min3A_276 = vector.multi_reduction <minimumf>, %select_n3A_274, %reduce_min3A_275 [1] : vector<256x1024xf32> to vector<256xf32>
    %broadcast_in_dim3A_277 = vector.shape_cast %reduce_min3A_276 : vector<256xf32> to vector<256x1xf32>
    %eq3A_278 = vector.broadcast %broadcast_in_dim3A_277 : vector<256x1xf32> to vector<256x1024xf32>
    %eq3A_279 = arith.cmpf oeq, %convert_element_type3A, %eq3A_278 : vector<256x1024xf32>
    %convert_element_type3A_280 = arith.extui %eq3A_279 : vector<256x1024xi1> to vector<256x1024xi32>
    %convert_element_type3A_281 = arith.sitofp %convert_element_type3A_280 : vector<256x1024xi32> to vector<256x1024xf32>
    %get3A_282 = arith.constant 2 : index
    %get3A_283 = arith.constant 0 : index
    %get3A_284 = arith.constant 0 : index
    %get3A_285 = vector.load %arg2[%get3A_282, %get3A_283, %get3A_284] : memref<8x1024x256xf32, #tpu.memory_space<vmem>>, vector<1x1024x256xf32>
    %get3A_286 = vector.shape_cast %get3A_285 : vector<1x1024x256xf32> to vector<1024x256xf32>
    %dot_general3A_287 = arith.constant dense<0.000000e+00> : vector<256x256xf32>
    %dot_general3A_288 = tpu.matmul %convert_element_type3A_281, %get3A_286, %dot_general3A_287 {dimension_numbers = #tpu.dot_dimension_numbers<[1], [0], [0], [1], [0, 0, 1, 1], [], []>, precision = #tpu.contract_precision<fp32>, transpose_lhs_hint = false} : vector<256x1024xf32>, vector<1024x256xf32>, vector<256x256xf32> -> vector<256x256xf32>
    %eq3A_289 = arith.constant 2 : i32
    %eq3A_290 = vector.broadcast %eq3A_289 : i32 to vector<256x8xi32>
    %eq3A_291 = arith.cmpi eq, %iota3A_10, %eq3A_290 : vector<256x8xi32>
    %jit3A_292 = arith.constant 0.000000e+00 : f32
    %broadcast_in_dim3A_293 = vector.shape_cast %broadcast_in_dim3A_277 : vector<256x1xf32> to vector<256x1xf32>
    %broadcast_in_dim3A_294 = vector.broadcast %broadcast_in_dim3A_293 : vector<256x1xf32> to vector<256x8xf32>
    %broadcast_in_dim3A_295 = vector.broadcast %jit3A_292 : f32 to vector<256x8xf32>
    %select_n3A_296 = arith.select %eq3A_291, %broadcast_in_dim3A_294, %broadcast_in_dim3A_295 : vector<256x8xi1>, vector<256x8xf32>
    %add3A_297 = arith.addf %add3A_177, %select_n3A_296 : vector<256x8xf32>
    %sub3A_298 = arith.subf %sub3A_178, %dot_general3A_288 : vector<256x256xf32>
    %add3A_299 = arith.addf %add3A_179, %dot_general3A_288 : vector<256x256xf32>
    %mul3A_300 = arith.mulf %sub3A_238, %sub3A_238 : vector<256x256xf32>
    %reduce_sum3A_301 = arith.constant dense<0.000000e+00> : vector<256xf32>
    %reduce_sum3A_302 = vector.multi_reduction <add>, %mul3A_300, %reduce_sum3A_301 [1] : vector<256x256xf32> to vector<256xf32>
    %broadcast_in_dim3A_303 = vector.shape_cast %reduce_sum3A_302 : vector<256xf32> to vector<256x1xf32>
    %get3A_304 = arith.constant 2 : index
    %get3A_305 = arith.constant 0 : index
    %get3A_306 = arith.constant 0 : index
    %get3A_307 = vector.load %arg3[%get3A_304, %get3A_305, %get3A_306] : memref<8x256x1024xf32, #tpu.memory_space<vmem>>, vector<1x256x1024xf32>
    %get3A_308 = vector.shape_cast %get3A_307 : vector<1x256x1024xf32> to vector<256x1024xf32>
    %dot_general3A_309 = arith.constant dense<0.000000e+00> : vector<256x1024xf32>
    %dot_general3A_310 = tpu.matmul %sub3A_238, %get3A_308, %dot_general3A_309 {dimension_numbers = #tpu.dot_dimension_numbers<[1], [0], [0], [1], [0, 0, 1, 1], [], []>, transpose_lhs_hint = false} : vector<256x256xf32>, vector<256x1024xf32>, vector<256x1024xf32> -> vector<256x1024xf32>
    %mul3A_311 = arith.constant 2.000000e+00 : f32
    %mul3A_312 = vector.broadcast %mul3A_311 : f32 to vector<256x1024xf32>
    %mul3A_313 = arith.mulf %mul3A_312, %dot_general3A_310 : vector<256x1024xf32>
    %sub3A_314 = vector.broadcast %broadcast_in_dim3A_303 : vector<256x1xf32> to vector<256x1024xf32>
    %sub3A_315 = arith.subf %sub3A_314, %mul3A_313 : vector<256x1024xf32>
    %get3A_316 = arith.constant 2 : index
    %get3A_317 = arith.constant 0 : index
    %get3A_318 = vector.load %arg4[%get3A_316, %get3A_317] : memref<8x1024xf32, #tpu.memory_space<vmem>>, vector<1x1024xf32>
    %get3A_319 = vector.shape_cast %get3A_318 : vector<1x1024xf32> to vector<1024xf32>
    %broadcast_in_dim3A_320 = vector.shape_cast %get3A_319 : vector<1024xf32> to vector<1x1024xf32>
    %add3A_321 = vector.broadcast %broadcast_in_dim3A_320 : vector<1x1024xf32> to vector<256x1024xf32>
    %add3A_322 = arith.addf %sub3A_315, %add3A_321 : vector<256x1024xf32>
    %max3A_323 = arith.constant 0.000000e+00 : f32
    %max3A_324 = vector.broadcast %max3A_323 : f32 to vector<256x1024xf32>
    %max3A_325 = arith.maximumf %add3A_322, %max3A_324 : vector<256x1024xf32>
    %sqrt3A_326 = math.sqrt %max3A_325 : vector<256x1024xf32>
    %reduce_min3A_327 = arith.constant dense<0x7F800000> : vector<256xf32>
    %reduce_min3A_328 = vector.multi_reduction <minimumf>, %sqrt3A_326, %reduce_min3A_327 [1] : vector<256x1024xf32> to vector<256xf32>
    %broadcast_in_dim3A_329 = vector.shape_cast %reduce_min3A_328 : vector<256xf32> to vector<256x1xf32>
    %eq3A_330 = vector.broadcast %broadcast_in_dim3A_329 : vector<256x1xf32> to vector<256x1024xf32>
    %eq3A_331 = arith.cmpf oeq, %sqrt3A_326, %eq3A_330 : vector<256x1024xf32>
    %jit3A_332 = arith.constant 1.024000e+03 : f32
    %broadcast_in_dim3A_333 = vector.broadcast %jit3A_332 : f32 to vector<256x1024xf32>
    %select_n3A_334 = arith.select %eq3A_331, %convert_element_type3A, %broadcast_in_dim3A_333 : vector<256x1024xi1>, vector<256x1024xf32>
    %reduce_min3A_335 = arith.constant dense<0x7F800000> : vector<256xf32>
    %reduce_min3A_336 = vector.multi_reduction <minimumf>, %select_n3A_334, %reduce_min3A_335 [1] : vector<256x1024xf32> to vector<256xf32>
    %broadcast_in_dim3A_337 = vector.shape_cast %reduce_min3A_336 : vector<256xf32> to vector<256x1xf32>
    %eq3A_338 = vector.broadcast %broadcast_in_dim3A_337 : vector<256x1xf32> to vector<256x1024xf32>
    %eq3A_339 = arith.cmpf oeq, %convert_element_type3A, %eq3A_338 : vector<256x1024xf32>
    %convert_element_type3A_340 = arith.extui %eq3A_339 : vector<256x1024xi1> to vector<256x1024xi32>
    %convert_element_type3A_341 = arith.sitofp %convert_element_type3A_340 : vector<256x1024xi32> to vector<256x1024xf32>
    %get3A_342 = arith.constant 2 : index
    %get3A_343 = arith.constant 0 : index
    %get3A_344 = arith.constant 0 : index
    %get3A_345 = vector.load %arg2[%get3A_342, %get3A_343, %get3A_344] : memref<8x1024x256xf32, #tpu.memory_space<vmem>>, vector<1x1024x256xf32>
    %get3A_346 = vector.shape_cast %get3A_345 : vector<1x1024x256xf32> to vector<1024x256xf32>
    %dot_general3A_347 = arith.constant dense<0.000000e+00> : vector<256x256xf32>
    %dot_general3A_348 = tpu.matmul %convert_element_type3A_341, %get3A_346, %dot_general3A_347 {dimension_numbers = #tpu.dot_dimension_numbers<[1], [0], [0], [1], [0, 0, 1, 1], [], []>, precision = #tpu.contract_precision<fp32>, transpose_lhs_hint = false} : vector<256x1024xf32>, vector<1024x256xf32>, vector<256x256xf32> -> vector<256x256xf32>
    %eq3A_349 = arith.constant 2 : i32
    %eq3A_350 = vector.broadcast %eq3A_349 : i32 to vector<256x8xi32>
    %eq3A_351 = arith.cmpi eq, %iota3A_10, %eq3A_350 : vector<256x8xi32>
    %jit3A_352 = arith.constant 0.000000e+00 : f32
    %broadcast_in_dim3A_353 = vector.shape_cast %broadcast_in_dim3A_337 : vector<256x1xf32> to vector<256x1xf32>
    %broadcast_in_dim3A_354 = vector.broadcast %broadcast_in_dim3A_353 : vector<256x1xf32> to vector<256x8xf32>
    %broadcast_in_dim3A_355 = vector.broadcast %jit3A_352 : f32 to vector<256x8xf32>
    %select_n3A_356 = arith.select %eq3A_351, %broadcast_in_dim3A_354, %broadcast_in_dim3A_355 : vector<256x8xi1>, vector<256x8xf32>
    %add3A_357 = arith.addf %add3A_237, %select_n3A_356 : vector<256x8xf32>
    %sub3A_358 = arith.subf %sub3A_238, %dot_general3A_348 : vector<256x256xf32>
    %add3A_359 = arith.addf %add3A_239, %dot_general3A_348 : vector<256x256xf32>
    %mul3A_360 = arith.mulf %sub3A_298, %sub3A_298 : vector<256x256xf32>
    %reduce_sum3A_361 = arith.constant dense<0.000000e+00> : vector<256xf32>
    %reduce_sum3A_362 = vector.multi_reduction <add>, %mul3A_360, %reduce_sum3A_361 [1] : vector<256x256xf32> to vector<256xf32>
    %broadcast_in_dim3A_363 = vector.shape_cast %reduce_sum3A_362 : vector<256xf32> to vector<256x1xf32>
    %get3A_364 = arith.constant 3 : index
    %get3A_365 = arith.constant 0 : index
    %get3A_366 = arith.constant 0 : index
    %get3A_367 = vector.load %arg3[%get3A_364, %get3A_365, %get3A_366] : memref<8x256x1024xf32, #tpu.memory_space<vmem>>, vector<1x256x1024xf32>
    %get3A_368 = vector.shape_cast %get3A_367 : vector<1x256x1024xf32> to vector<256x1024xf32>
    %dot_general3A_369 = arith.constant dense<0.000000e+00> : vector<256x1024xf32>
    %dot_general3A_370 = tpu.matmul %sub3A_298, %get3A_368, %dot_general3A_369 {dimension_numbers = #tpu.dot_dimension_numbers<[1], [0], [0], [1], [0, 0, 1, 1], [], []>, transpose_lhs_hint = false} : vector<256x256xf32>, vector<256x1024xf32>, vector<256x1024xf32> -> vector<256x1024xf32>
    %mul3A_371 = arith.constant 2.000000e+00 : f32
    %mul3A_372 = vector.broadcast %mul3A_371 : f32 to vector<256x1024xf32>
    %mul3A_373 = arith.mulf %mul3A_372, %dot_general3A_370 : vector<256x1024xf32>
    %sub3A_374 = vector.broadcast %broadcast_in_dim3A_363 : vector<256x1xf32> to vector<256x1024xf32>
    %sub3A_375 = arith.subf %sub3A_374, %mul3A_373 : vector<256x1024xf32>
    %get3A_376 = arith.constant 3 : index
    %get3A_377 = arith.constant 0 : index
    %get3A_378 = vector.load %arg4[%get3A_376, %get3A_377] : memref<8x1024xf32, #tpu.memory_space<vmem>>, vector<1x1024xf32>
    %get3A_379 = vector.shape_cast %get3A_378 : vector<1x1024xf32> to vector<1024xf32>
    %broadcast_in_dim3A_380 = vector.shape_cast %get3A_379 : vector<1024xf32> to vector<1x1024xf32>
    %add3A_381 = vector.broadcast %broadcast_in_dim3A_380 : vector<1x1024xf32> to vector<256x1024xf32>
    %add3A_382 = arith.addf %sub3A_375, %add3A_381 : vector<256x1024xf32>
    %max3A_383 = arith.constant 0.000000e+00 : f32
    %max3A_384 = vector.broadcast %max3A_383 : f32 to vector<256x1024xf32>
    %max3A_385 = arith.maximumf %add3A_382, %max3A_384 : vector<256x1024xf32>
    %sqrt3A_386 = math.sqrt %max3A_385 : vector<256x1024xf32>
    %reduce_min3A_387 = arith.constant dense<0x7F800000> : vector<256xf32>
    %reduce_min3A_388 = vector.multi_reduction <minimumf>, %sqrt3A_386, %reduce_min3A_387 [1] : vector<256x1024xf32> to vector<256xf32>
    %broadcast_in_dim3A_389 = vector.shape_cast %reduce_min3A_388 : vector<256xf32> to vector<256x1xf32>
    %eq3A_390 = vector.broadcast %broadcast_in_dim3A_389 : vector<256x1xf32> to vector<256x1024xf32>
    %eq3A_391 = arith.cmpf oeq, %sqrt3A_386, %eq3A_390 : vector<256x1024xf32>
    %jit3A_392 = arith.constant 1.024000e+03 : f32
    %broadcast_in_dim3A_393 = vector.broadcast %jit3A_392 : f32 to vector<256x1024xf32>
    %select_n3A_394 = arith.select %eq3A_391, %convert_element_type3A, %broadcast_in_dim3A_393 : vector<256x1024xi1>, vector<256x1024xf32>
    %reduce_min3A_395 = arith.constant dense<0x7F800000> : vector<256xf32>
    %reduce_min3A_396 = vector.multi_reduction <minimumf>, %select_n3A_394, %reduce_min3A_395 [1] : vector<256x1024xf32> to vector<256xf32>
    %broadcast_in_dim3A_397 = vector.shape_cast %reduce_min3A_396 : vector<256xf32> to vector<256x1xf32>
    %eq3A_398 = vector.broadcast %broadcast_in_dim3A_397 : vector<256x1xf32> to vector<256x1024xf32>
    %eq3A_399 = arith.cmpf oeq, %convert_element_type3A, %eq3A_398 : vector<256x1024xf32>
    %convert_element_type3A_400 = arith.extui %eq3A_399 : vector<256x1024xi1> to vector<256x1024xi32>
    %convert_element_type3A_401 = arith.sitofp %convert_element_type3A_400 : vector<256x1024xi32> to vector<256x1024xf32>
    %get3A_402 = arith.constant 3 : index
    %get3A_403 = arith.constant 0 : index
    %get3A_404 = arith.constant 0 : index
    %get3A_405 = vector.load %arg2[%get3A_402, %get3A_403, %get3A_404] : memref<8x1024x256xf32, #tpu.memory_space<vmem>>, vector<1x1024x256xf32>
    %get3A_406 = vector.shape_cast %get3A_405 : vector<1x1024x256xf32> to vector<1024x256xf32>
    %dot_general3A_407 = arith.constant dense<0.000000e+00> : vector<256x256xf32>
    %dot_general3A_408 = tpu.matmul %convert_element_type3A_401, %get3A_406, %dot_general3A_407 {dimension_numbers = #tpu.dot_dimension_numbers<[1], [0], [0], [1], [0, 0, 1, 1], [], []>, precision = #tpu.contract_precision<fp32>, transpose_lhs_hint = false} : vector<256x1024xf32>, vector<1024x256xf32>, vector<256x256xf32> -> vector<256x256xf32>
    %eq3A_409 = arith.constant 3 : i32
    %eq3A_410 = vector.broadcast %eq3A_409 : i32 to vector<256x8xi32>
    %eq3A_411 = arith.cmpi eq, %iota3A_10, %eq3A_410 : vector<256x8xi32>
    %jit3A_412 = arith.constant 0.000000e+00 : f32
    %broadcast_in_dim3A_413 = vector.shape_cast %broadcast_in_dim3A_397 : vector<256x1xf32> to vector<256x1xf32>
    %broadcast_in_dim3A_414 = vector.broadcast %broadcast_in_dim3A_413 : vector<256x1xf32> to vector<256x8xf32>
    %broadcast_in_dim3A_415 = vector.broadcast %jit3A_412 : f32 to vector<256x8xf32>
    %select_n3A_416 = arith.select %eq3A_411, %broadcast_in_dim3A_414, %broadcast_in_dim3A_415 : vector<256x8xi1>, vector<256x8xf32>
    %add3A_417 = arith.addf %add3A_297, %select_n3A_416 : vector<256x8xf32>
    %sub3A_418 = arith.subf %sub3A_298, %dot_general3A_408 : vector<256x256xf32>
    %add3A_419 = arith.addf %add3A_299, %dot_general3A_408 : vector<256x256xf32>
    %mul3A_420 = arith.mulf %sub3A_358, %sub3A_358 : vector<256x256xf32>
    %reduce_sum3A_421 = arith.constant dense<0.000000e+00> : vector<256xf32>
    %reduce_sum3A_422 = vector.multi_reduction <add>, %mul3A_420, %reduce_sum3A_421 [1] : vector<256x256xf32> to vector<256xf32>
    %broadcast_in_dim3A_423 = vector.shape_cast %reduce_sum3A_422 : vector<256xf32> to vector<256x1xf32>
    %get3A_424 = arith.constant 3 : index
    %get3A_425 = arith.constant 0 : index
    %get3A_426 = arith.constant 0 : index
    %get3A_427 = vector.load %arg3[%get3A_424, %get3A_425, %get3A_426] : memref<8x256x1024xf32, #tpu.memory_space<vmem>>, vector<1x256x1024xf32>
    %get3A_428 = vector.shape_cast %get3A_427 : vector<1x256x1024xf32> to vector<256x1024xf32>
    %dot_general3A_429 = arith.constant dense<0.000000e+00> : vector<256x1024xf32>
    %dot_general3A_430 = tpu.matmul %sub3A_358, %get3A_428, %dot_general3A_429 {dimension_numbers = #tpu.dot_dimension_numbers<[1], [0], [0], [1], [0, 0, 1, 1], [], []>, transpose_lhs_hint = false} : vector<256x256xf32>, vector<256x1024xf32>, vector<256x1024xf32> -> vector<256x1024xf32>
    %mul3A_431 = arith.constant 2.000000e+00 : f32
    %mul3A_432 = vector.broadcast %mul3A_431 : f32 to vector<256x1024xf32>
    %mul3A_433 = arith.mulf %mul3A_432, %dot_general3A_430 : vector<256x1024xf32>
    %sub3A_434 = vector.broadcast %broadcast_in_dim3A_423 : vector<256x1xf32> to vector<256x1024xf32>
    %sub3A_435 = arith.subf %sub3A_434, %mul3A_433 : vector<256x1024xf32>
    %get3A_436 = arith.constant 3 : index
    %get3A_437 = arith.constant 0 : index
    %get3A_438 = vector.load %arg4[%get3A_436, %get3A_437] : memref<8x1024xf32, #tpu.memory_space<vmem>>, vector<1x1024xf32>
    %get3A_439 = vector.shape_cast %get3A_438 : vector<1x1024xf32> to vector<1024xf32>
    %broadcast_in_dim3A_440 = vector.shape_cast %get3A_439 : vector<1024xf32> to vector<1x1024xf32>
    %add3A_441 = vector.broadcast %broadcast_in_dim3A_440 : vector<1x1024xf32> to vector<256x1024xf32>
    %add3A_442 = arith.addf %sub3A_435, %add3A_441 : vector<256x1024xf32>
    %max3A_443 = arith.constant 0.000000e+00 : f32
    %max3A_444 = vector.broadcast %max3A_443 : f32 to vector<256x1024xf32>
    %max3A_445 = arith.maximumf %add3A_442, %max3A_444 : vector<256x1024xf32>
    %sqrt3A_446 = math.sqrt %max3A_445 : vector<256x1024xf32>
    %reduce_min3A_447 = arith.constant dense<0x7F800000> : vector<256xf32>
    %reduce_min3A_448 = vector.multi_reduction <minimumf>, %sqrt3A_446, %reduce_min3A_447 [1] : vector<256x1024xf32> to vector<256xf32>
    %broadcast_in_dim3A_449 = vector.shape_cast %reduce_min3A_448 : vector<256xf32> to vector<256x1xf32>
    %eq3A_450 = vector.broadcast %broadcast_in_dim3A_449 : vector<256x1xf32> to vector<256x1024xf32>
    %eq3A_451 = arith.cmpf oeq, %sqrt3A_446, %eq3A_450 : vector<256x1024xf32>
    %jit3A_452 = arith.constant 1.024000e+03 : f32
    %broadcast_in_dim3A_453 = vector.broadcast %jit3A_452 : f32 to vector<256x1024xf32>
    %select_n3A_454 = arith.select %eq3A_451, %convert_element_type3A, %broadcast_in_dim3A_453 : vector<256x1024xi1>, vector<256x1024xf32>
    %reduce_min3A_455 = arith.constant dense<0x7F800000> : vector<256xf32>
    %reduce_min3A_456 = vector.multi_reduction <minimumf>, %select_n3A_454, %reduce_min3A_455 [1] : vector<256x1024xf32> to vector<256xf32>
    %broadcast_in_dim3A_457 = vector.shape_cast %reduce_min3A_456 : vector<256xf32> to vector<256x1xf32>
    %eq3A_458 = vector.broadcast %broadcast_in_dim3A_457 : vector<256x1xf32> to vector<256x1024xf32>
    %eq3A_459 = arith.cmpf oeq, %convert_element_type3A, %eq3A_458 : vector<256x1024xf32>
    %convert_element_type3A_460 = arith.extui %eq3A_459 : vector<256x1024xi1> to vector<256x1024xi32>
    %convert_element_type3A_461 = arith.sitofp %convert_element_type3A_460 : vector<256x1024xi32> to vector<256x1024xf32>
    %get3A_462 = arith.constant 3 : index
    %get3A_463 = arith.constant 0 : index
    %get3A_464 = arith.constant 0 : index
    %get3A_465 = vector.load %arg2[%get3A_462, %get3A_463, %get3A_464] : memref<8x1024x256xf32, #tpu.memory_space<vmem>>, vector<1x1024x256xf32>
    %get3A_466 = vector.shape_cast %get3A_465 : vector<1x1024x256xf32> to vector<1024x256xf32>
    %dot_general3A_467 = arith.constant dense<0.000000e+00> : vector<256x256xf32>
    %dot_general3A_468 = tpu.matmul %convert_element_type3A_461, %get3A_466, %dot_general3A_467 {dimension_numbers = #tpu.dot_dimension_numbers<[1], [0], [0], [1], [0, 0, 1, 1], [], []>, precision = #tpu.contract_precision<fp32>, transpose_lhs_hint = false} : vector<256x1024xf32>, vector<1024x256xf32>, vector<256x256xf32> -> vector<256x256xf32>
    %eq3A_469 = arith.constant 3 : i32
    %eq3A_470 = vector.broadcast %eq3A_469 : i32 to vector<256x8xi32>
    %eq3A_471 = arith.cmpi eq, %iota3A_10, %eq3A_470 : vector<256x8xi32>
    %jit3A_472 = arith.constant 0.000000e+00 : f32
    %broadcast_in_dim3A_473 = vector.shape_cast %broadcast_in_dim3A_457 : vector<256x1xf32> to vector<256x1xf32>
    %broadcast_in_dim3A_474 = vector.broadcast %broadcast_in_dim3A_473 : vector<256x1xf32> to vector<256x8xf32>
    %broadcast_in_dim3A_475 = vector.broadcast %jit3A_472 : f32 to vector<256x8xf32>
    %select_n3A_476 = arith.select %eq3A_471, %broadcast_in_dim3A_474, %broadcast_in_dim3A_475 : vector<256x8xi1>, vector<256x8xf32>
    %add3A_477 = arith.addf %add3A_357, %select_n3A_476 : vector<256x8xf32>
    %sub3A_478 = arith.subf %sub3A_358, %dot_general3A_468 : vector<256x256xf32>
    %add3A_479 = arith.addf %add3A_359, %dot_general3A_468 : vector<256x256xf32>
    %mul3A_480 = arith.mulf %sub3A_418, %sub3A_418 : vector<256x256xf32>
    %reduce_sum3A_481 = arith.constant dense<0.000000e+00> : vector<256xf32>
    %reduce_sum3A_482 = vector.multi_reduction <add>, %mul3A_480, %reduce_sum3A_481 [1] : vector<256x256xf32> to vector<256xf32>
    %broadcast_in_dim3A_483 = vector.shape_cast %reduce_sum3A_482 : vector<256xf32> to vector<256x1xf32>
    %get3A_484 = arith.constant 4 : index
    %get3A_485 = arith.constant 0 : index
    %get3A_486 = arith.constant 0 : index
    %get3A_487 = vector.load %arg3[%get3A_484, %get3A_485, %get3A_486] : memref<8x256x1024xf32, #tpu.memory_space<vmem>>, vector<1x256x1024xf32>
    %get3A_488 = vector.shape_cast %get3A_487 : vector<1x256x1024xf32> to vector<256x1024xf32>
    %dot_general3A_489 = arith.constant dense<0.000000e+00> : vector<256x1024xf32>
    %dot_general3A_490 = tpu.matmul %sub3A_418, %get3A_488, %dot_general3A_489 {dimension_numbers = #tpu.dot_dimension_numbers<[1], [0], [0], [1], [0, 0, 1, 1], [], []>, transpose_lhs_hint = false} : vector<256x256xf32>, vector<256x1024xf32>, vector<256x1024xf32> -> vector<256x1024xf32>
    %mul3A_491 = arith.constant 2.000000e+00 : f32
    %mul3A_492 = vector.broadcast %mul3A_491 : f32 to vector<256x1024xf32>
    %mul3A_493 = arith.mulf %mul3A_492, %dot_general3A_490 : vector<256x1024xf32>
    %sub3A_494 = vector.broadcast %broadcast_in_dim3A_483 : vector<256x1xf32> to vector<256x1024xf32>
    %sub3A_495 = arith.subf %sub3A_494, %mul3A_493 : vector<256x1024xf32>
    %get3A_496 = arith.constant 4 : index
    %get3A_497 = arith.constant 0 : index
    %get3A_498 = vector.load %arg4[%get3A_496, %get3A_497] : memref<8x1024xf32, #tpu.memory_space<vmem>>, vector<1x1024xf32>
    %get3A_499 = vector.shape_cast %get3A_498 : vector<1x1024xf32> to vector<1024xf32>
    %broadcast_in_dim3A_500 = vector.shape_cast %get3A_499 : vector<1024xf32> to vector<1x1024xf32>
    %add3A_501 = vector.broadcast %broadcast_in_dim3A_500 : vector<1x1024xf32> to vector<256x1024xf32>
    %add3A_502 = arith.addf %sub3A_495, %add3A_501 : vector<256x1024xf32>
    %max3A_503 = arith.constant 0.000000e+00 : f32
    %max3A_504 = vector.broadcast %max3A_503 : f32 to vector<256x1024xf32>
    %max3A_505 = arith.maximumf %add3A_502, %max3A_504 : vector<256x1024xf32>
    %sqrt3A_506 = math.sqrt %max3A_505 : vector<256x1024xf32>
    %reduce_min3A_507 = arith.constant dense<0x7F800000> : vector<256xf32>
    %reduce_min3A_508 = vector.multi_reduction <minimumf>, %sqrt3A_506, %reduce_min3A_507 [1] : vector<256x1024xf32> to vector<256xf32>
    %broadcast_in_dim3A_509 = vector.shape_cast %reduce_min3A_508 : vector<256xf32> to vector<256x1xf32>
    %eq3A_510 = vector.broadcast %broadcast_in_dim3A_509 : vector<256x1xf32> to vector<256x1024xf32>
    %eq3A_511 = arith.cmpf oeq, %sqrt3A_506, %eq3A_510 : vector<256x1024xf32>
    %jit3A_512 = arith.constant 1.024000e+03 : f32
    %broadcast_in_dim3A_513 = vector.broadcast %jit3A_512 : f32 to vector<256x1024xf32>
    %select_n3A_514 = arith.select %eq3A_511, %convert_element_type3A, %broadcast_in_dim3A_513 : vector<256x1024xi1>, vector<256x1024xf32>
    %reduce_min3A_515 = arith.constant dense<0x7F800000> : vector<256xf32>
    %reduce_min3A_516 = vector.multi_reduction <minimumf>, %select_n3A_514, %reduce_min3A_515 [1] : vector<256x1024xf32> to vector<256xf32>
    %broadcast_in_dim3A_517 = vector.shape_cast %reduce_min3A_516 : vector<256xf32> to vector<256x1xf32>
    %eq3A_518 = vector.broadcast %broadcast_in_dim3A_517 : vector<256x1xf32> to vector<256x1024xf32>
    %eq3A_519 = arith.cmpf oeq, %convert_element_type3A, %eq3A_518 : vector<256x1024xf32>
    %convert_element_type3A_520 = arith.extui %eq3A_519 : vector<256x1024xi1> to vector<256x1024xi32>
    %convert_element_type3A_521 = arith.sitofp %convert_element_type3A_520 : vector<256x1024xi32> to vector<256x1024xf32>
    %get3A_522 = arith.constant 4 : index
    %get3A_523 = arith.constant 0 : index
    %get3A_524 = arith.constant 0 : index
    %get3A_525 = vector.load %arg2[%get3A_522, %get3A_523, %get3A_524] : memref<8x1024x256xf32, #tpu.memory_space<vmem>>, vector<1x1024x256xf32>
    %get3A_526 = vector.shape_cast %get3A_525 : vector<1x1024x256xf32> to vector<1024x256xf32>
    %dot_general3A_527 = arith.constant dense<0.000000e+00> : vector<256x256xf32>
    %dot_general3A_528 = tpu.matmul %convert_element_type3A_521, %get3A_526, %dot_general3A_527 {dimension_numbers = #tpu.dot_dimension_numbers<[1], [0], [0], [1], [0, 0, 1, 1], [], []>, precision = #tpu.contract_precision<fp32>, transpose_lhs_hint = false} : vector<256x1024xf32>, vector<1024x256xf32>, vector<256x256xf32> -> vector<256x256xf32>
    %eq3A_529 = arith.constant 4 : i32
    %eq3A_530 = vector.broadcast %eq3A_529 : i32 to vector<256x8xi32>
    %eq3A_531 = arith.cmpi eq, %iota3A_10, %eq3A_530 : vector<256x8xi32>
    %jit3A_532 = arith.constant 0.000000e+00 : f32
    %broadcast_in_dim3A_533 = vector.shape_cast %broadcast_in_dim3A_517 : vector<256x1xf32> to vector<256x1xf32>
    %broadcast_in_dim3A_534 = vector.broadcast %broadcast_in_dim3A_533 : vector<256x1xf32> to vector<256x8xf32>
    %broadcast_in_dim3A_535 = vector.broadcast %jit3A_532 : f32 to vector<256x8xf32>
    %select_n3A_536 = arith.select %eq3A_531, %broadcast_in_dim3A_534, %broadcast_in_dim3A_535 : vector<256x8xi1>, vector<256x8xf32>
    %add3A_537 = arith.addf %add3A_417, %select_n3A_536 : vector<256x8xf32>
    %sub3A_538 = arith.subf %sub3A_418, %dot_general3A_528 : vector<256x256xf32>
    %add3A_539 = arith.addf %add3A_419, %dot_general3A_528 : vector<256x256xf32>
    %mul3A_540 = arith.mulf %sub3A_478, %sub3A_478 : vector<256x256xf32>
    %reduce_sum3A_541 = arith.constant dense<0.000000e+00> : vector<256xf32>
    %reduce_sum3A_542 = vector.multi_reduction <add>, %mul3A_540, %reduce_sum3A_541 [1] : vector<256x256xf32> to vector<256xf32>
    %broadcast_in_dim3A_543 = vector.shape_cast %reduce_sum3A_542 : vector<256xf32> to vector<256x1xf32>
    %get3A_544 = arith.constant 4 : index
    %get3A_545 = arith.constant 0 : index
    %get3A_546 = arith.constant 0 : index
    %get3A_547 = vector.load %arg3[%get3A_544, %get3A_545, %get3A_546] : memref<8x256x1024xf32, #tpu.memory_space<vmem>>, vector<1x256x1024xf32>
    %get3A_548 = vector.shape_cast %get3A_547 : vector<1x256x1024xf32> to vector<256x1024xf32>
    %dot_general3A_549 = arith.constant dense<0.000000e+00> : vector<256x1024xf32>
    %dot_general3A_550 = tpu.matmul %sub3A_478, %get3A_548, %dot_general3A_549 {dimension_numbers = #tpu.dot_dimension_numbers<[1], [0], [0], [1], [0, 0, 1, 1], [], []>, transpose_lhs_hint = false} : vector<256x256xf32>, vector<256x1024xf32>, vector<256x1024xf32> -> vector<256x1024xf32>
    %mul3A_551 = arith.constant 2.000000e+00 : f32
    %mul3A_552 = vector.broadcast %mul3A_551 : f32 to vector<256x1024xf32>
    %mul3A_553 = arith.mulf %mul3A_552, %dot_general3A_550 : vector<256x1024xf32>
    %sub3A_554 = vector.broadcast %broadcast_in_dim3A_543 : vector<256x1xf32> to vector<256x1024xf32>
    %sub3A_555 = arith.subf %sub3A_554, %mul3A_553 : vector<256x1024xf32>
    %get3A_556 = arith.constant 4 : index
    %get3A_557 = arith.constant 0 : index
    %get3A_558 = vector.load %arg4[%get3A_556, %get3A_557] : memref<8x1024xf32, #tpu.memory_space<vmem>>, vector<1x1024xf32>
    %get3A_559 = vector.shape_cast %get3A_558 : vector<1x1024xf32> to vector<1024xf32>
    %broadcast_in_dim3A_560 = vector.shape_cast %get3A_559 : vector<1024xf32> to vector<1x1024xf32>
    %add3A_561 = vector.broadcast %broadcast_in_dim3A_560 : vector<1x1024xf32> to vector<256x1024xf32>
    %add3A_562 = arith.addf %sub3A_555, %add3A_561 : vector<256x1024xf32>
    %max3A_563 = arith.constant 0.000000e+00 : f32
    %max3A_564 = vector.broadcast %max3A_563 : f32 to vector<256x1024xf32>
    %max3A_565 = arith.maximumf %add3A_562, %max3A_564 : vector<256x1024xf32>
    %sqrt3A_566 = math.sqrt %max3A_565 : vector<256x1024xf32>
    %reduce_min3A_567 = arith.constant dense<0x7F800000> : vector<256xf32>
    %reduce_min3A_568 = vector.multi_reduction <minimumf>, %sqrt3A_566, %reduce_min3A_567 [1] : vector<256x1024xf32> to vector<256xf32>
    %broadcast_in_dim3A_569 = vector.shape_cast %reduce_min3A_568 : vector<256xf32> to vector<256x1xf32>
    %eq3A_570 = vector.broadcast %broadcast_in_dim3A_569 : vector<256x1xf32> to vector<256x1024xf32>
    %eq3A_571 = arith.cmpf oeq, %sqrt3A_566, %eq3A_570 : vector<256x1024xf32>
    %jit3A_572 = arith.constant 1.024000e+03 : f32
    %broadcast_in_dim3A_573 = vector.broadcast %jit3A_572 : f32 to vector<256x1024xf32>
    %select_n3A_574 = arith.select %eq3A_571, %convert_element_type3A, %broadcast_in_dim3A_573 : vector<256x1024xi1>, vector<256x1024xf32>
    %reduce_min3A_575 = arith.constant dense<0x7F800000> : vector<256xf32>
    %reduce_min3A_576 = vector.multi_reduction <minimumf>, %select_n3A_574, %reduce_min3A_575 [1] : vector<256x1024xf32> to vector<256xf32>
    %broadcast_in_dim3A_577 = vector.shape_cast %reduce_min3A_576 : vector<256xf32> to vector<256x1xf32>
    %eq3A_578 = vector.broadcast %broadcast_in_dim3A_577 : vector<256x1xf32> to vector<256x1024xf32>
    %eq3A_579 = arith.cmpf oeq, %convert_element_type3A, %eq3A_578 : vector<256x1024xf32>
    %convert_element_type3A_580 = arith.extui %eq3A_579 : vector<256x1024xi1> to vector<256x1024xi32>
    %convert_element_type3A_581 = arith.sitofp %convert_element_type3A_580 : vector<256x1024xi32> to vector<256x1024xf32>
    %get3A_582 = arith.constant 4 : index
    %get3A_583 = arith.constant 0 : index
    %get3A_584 = arith.constant 0 : index
    %get3A_585 = vector.load %arg2[%get3A_582, %get3A_583, %get3A_584] : memref<8x1024x256xf32, #tpu.memory_space<vmem>>, vector<1x1024x256xf32>
    %get3A_586 = vector.shape_cast %get3A_585 : vector<1x1024x256xf32> to vector<1024x256xf32>
    %dot_general3A_587 = arith.constant dense<0.000000e+00> : vector<256x256xf32>
    %dot_general3A_588 = tpu.matmul %convert_element_type3A_581, %get3A_586, %dot_general3A_587 {dimension_numbers = #tpu.dot_dimension_numbers<[1], [0], [0], [1], [0, 0, 1, 1], [], []>, precision = #tpu.contract_precision<fp32>, transpose_lhs_hint = false} : vector<256x1024xf32>, vector<1024x256xf32>, vector<256x256xf32> -> vector<256x256xf32>
    %eq3A_589 = arith.constant 4 : i32
    %eq3A_590 = vector.broadcast %eq3A_589 : i32 to vector<256x8xi32>
    %eq3A_591 = arith.cmpi eq, %iota3A_10, %eq3A_590 : vector<256x8xi32>
    %jit3A_592 = arith.constant 0.000000e+00 : f32
    %broadcast_in_dim3A_593 = vector.shape_cast %broadcast_in_dim3A_577 : vector<256x1xf32> to vector<256x1xf32>
    %broadcast_in_dim3A_594 = vector.broadcast %broadcast_in_dim3A_593 : vector<256x1xf32> to vector<256x8xf32>
    %broadcast_in_dim3A_595 = vector.broadcast %jit3A_592 : f32 to vector<256x8xf32>
    %select_n3A_596 = arith.select %eq3A_591, %broadcast_in_dim3A_594, %broadcast_in_dim3A_595 : vector<256x8xi1>, vector<256x8xf32>
    %add3A_597 = arith.addf %add3A_477, %select_n3A_596 : vector<256x8xf32>
    %sub3A_598 = arith.subf %sub3A_478, %dot_general3A_588 : vector<256x256xf32>
    %add3A_599 = arith.addf %add3A_479, %dot_general3A_588 : vector<256x256xf32>
    %mul3A_600 = arith.mulf %sub3A_538, %sub3A_538 : vector<256x256xf32>
    %reduce_sum3A_601 = arith.constant dense<0.000000e+00> : vector<256xf32>
    %reduce_sum3A_602 = vector.multi_reduction <add>, %mul3A_600, %reduce_sum3A_601 [1] : vector<256x256xf32> to vector<256xf32>
    %broadcast_in_dim3A_603 = vector.shape_cast %reduce_sum3A_602 : vector<256xf32> to vector<256x1xf32>
    %get3A_604 = arith.constant 5 : index
    %get3A_605 = arith.constant 0 : index
    %get3A_606 = arith.constant 0 : index
    %get3A_607 = vector.load %arg3[%get3A_604, %get3A_605, %get3A_606] : memref<8x256x1024xf32, #tpu.memory_space<vmem>>, vector<1x256x1024xf32>
    %get3A_608 = vector.shape_cast %get3A_607 : vector<1x256x1024xf32> to vector<256x1024xf32>
    %dot_general3A_609 = arith.constant dense<0.000000e+00> : vector<256x1024xf32>
    %dot_general3A_610 = tpu.matmul %sub3A_538, %get3A_608, %dot_general3A_609 {dimension_numbers = #tpu.dot_dimension_numbers<[1], [0], [0], [1], [0, 0, 1, 1], [], []>, transpose_lhs_hint = false} : vector<256x256xf32>, vector<256x1024xf32>, vector<256x1024xf32> -> vector<256x1024xf32>
    %mul3A_611 = arith.constant 2.000000e+00 : f32
    %mul3A_612 = vector.broadcast %mul3A_611 : f32 to vector<256x1024xf32>
    %mul3A_613 = arith.mulf %mul3A_612, %dot_general3A_610 : vector<256x1024xf32>
    %sub3A_614 = vector.broadcast %broadcast_in_dim3A_603 : vector<256x1xf32> to vector<256x1024xf32>
    %sub3A_615 = arith.subf %sub3A_614, %mul3A_613 : vector<256x1024xf32>
    %get3A_616 = arith.constant 5 : index
    %get3A_617 = arith.constant 0 : index
    %get3A_618 = vector.load %arg4[%get3A_616, %get3A_617] : memref<8x1024xf32, #tpu.memory_space<vmem>>, vector<1x1024xf32>
    %get3A_619 = vector.shape_cast %get3A_618 : vector<1x1024xf32> to vector<1024xf32>
    %broadcast_in_dim3A_620 = vector.shape_cast %get3A_619 : vector<1024xf32> to vector<1x1024xf32>
    %add3A_621 = vector.broadcast %broadcast_in_dim3A_620 : vector<1x1024xf32> to vector<256x1024xf32>
    %add3A_622 = arith.addf %sub3A_615, %add3A_621 : vector<256x1024xf32>
    %max3A_623 = arith.constant 0.000000e+00 : f32
    %max3A_624 = vector.broadcast %max3A_623 : f32 to vector<256x1024xf32>
    %max3A_625 = arith.maximumf %add3A_622, %max3A_624 : vector<256x1024xf32>
    %sqrt3A_626 = math.sqrt %max3A_625 : vector<256x1024xf32>
    %reduce_min3A_627 = arith.constant dense<0x7F800000> : vector<256xf32>
    %reduce_min3A_628 = vector.multi_reduction <minimumf>, %sqrt3A_626, %reduce_min3A_627 [1] : vector<256x1024xf32> to vector<256xf32>
    %broadcast_in_dim3A_629 = vector.shape_cast %reduce_min3A_628 : vector<256xf32> to vector<256x1xf32>
    %eq3A_630 = vector.broadcast %broadcast_in_dim3A_629 : vector<256x1xf32> to vector<256x1024xf32>
    %eq3A_631 = arith.cmpf oeq, %sqrt3A_626, %eq3A_630 : vector<256x1024xf32>
    %jit3A_632 = arith.constant 1.024000e+03 : f32
    %broadcast_in_dim3A_633 = vector.broadcast %jit3A_632 : f32 to vector<256x1024xf32>
    %select_n3A_634 = arith.select %eq3A_631, %convert_element_type3A, %broadcast_in_dim3A_633 : vector<256x1024xi1>, vector<256x1024xf32>
    %reduce_min3A_635 = arith.constant dense<0x7F800000> : vector<256xf32>
    %reduce_min3A_636 = vector.multi_reduction <minimumf>, %select_n3A_634, %reduce_min3A_635 [1] : vector<256x1024xf32> to vector<256xf32>
    %broadcast_in_dim3A_637 = vector.shape_cast %reduce_min3A_636 : vector<256xf32> to vector<256x1xf32>
    %eq3A_638 = vector.broadcast %broadcast_in_dim3A_637 : vector<256x1xf32> to vector<256x1024xf32>
    %eq3A_639 = arith.cmpf oeq, %convert_element_type3A, %eq3A_638 : vector<256x1024xf32>
    %convert_element_type3A_640 = arith.extui %eq3A_639 : vector<256x1024xi1> to vector<256x1024xi32>
    %convert_element_type3A_641 = arith.sitofp %convert_element_type3A_640 : vector<256x1024xi32> to vector<256x1024xf32>
    %get3A_642 = arith.constant 5 : index
    %get3A_643 = arith.constant 0 : index
    %get3A_644 = arith.constant 0 : index
    %get3A_645 = vector.load %arg2[%get3A_642, %get3A_643, %get3A_644] : memref<8x1024x256xf32, #tpu.memory_space<vmem>>, vector<1x1024x256xf32>
    %get3A_646 = vector.shape_cast %get3A_645 : vector<1x1024x256xf32> to vector<1024x256xf32>
    %dot_general3A_647 = arith.constant dense<0.000000e+00> : vector<256x256xf32>
    %dot_general3A_648 = tpu.matmul %convert_element_type3A_641, %get3A_646, %dot_general3A_647 {dimension_numbers = #tpu.dot_dimension_numbers<[1], [0], [0], [1], [0, 0, 1, 1], [], []>, precision = #tpu.contract_precision<fp32>, transpose_lhs_hint = false} : vector<256x1024xf32>, vector<1024x256xf32>, vector<256x256xf32> -> vector<256x256xf32>
    %eq3A_649 = arith.constant 5 : i32
    %eq3A_650 = vector.broadcast %eq3A_649 : i32 to vector<256x8xi32>
    %eq3A_651 = arith.cmpi eq, %iota3A_10, %eq3A_650 : vector<256x8xi32>
    %jit3A_652 = arith.constant 0.000000e+00 : f32
    %broadcast_in_dim3A_653 = vector.shape_cast %broadcast_in_dim3A_637 : vector<256x1xf32> to vector<256x1xf32>
    %broadcast_in_dim3A_654 = vector.broadcast %broadcast_in_dim3A_653 : vector<256x1xf32> to vector<256x8xf32>
    %broadcast_in_dim3A_655 = vector.broadcast %jit3A_652 : f32 to vector<256x8xf32>
    %select_n3A_656 = arith.select %eq3A_651, %broadcast_in_dim3A_654, %broadcast_in_dim3A_655 : vector<256x8xi1>, vector<256x8xf32>
    %add3A_657 = arith.addf %add3A_537, %select_n3A_656 : vector<256x8xf32>
    %sub3A_658 = arith.subf %sub3A_538, %dot_general3A_648 : vector<256x256xf32>
    %add3A_659 = arith.addf %add3A_539, %dot_general3A_648 : vector<256x256xf32>
    %mul3A_660 = arith.mulf %sub3A_598, %sub3A_598 : vector<256x256xf32>
    %reduce_sum3A_661 = arith.constant dense<0.000000e+00> : vector<256xf32>
    %reduce_sum3A_662 = vector.multi_reduction <add>, %mul3A_660, %reduce_sum3A_661 [1] : vector<256x256xf32> to vector<256xf32>
    %broadcast_in_dim3A_663 = vector.shape_cast %reduce_sum3A_662 : vector<256xf32> to vector<256x1xf32>
    %get3A_664 = arith.constant 5 : index
    %get3A_665 = arith.constant 0 : index
    %get3A_666 = arith.constant 0 : index
    %get3A_667 = vector.load %arg3[%get3A_664, %get3A_665, %get3A_666] : memref<8x256x1024xf32, #tpu.memory_space<vmem>>, vector<1x256x1024xf32>
    %get3A_668 = vector.shape_cast %get3A_667 : vector<1x256x1024xf32> to vector<256x1024xf32>
    %dot_general3A_669 = arith.constant dense<0.000000e+00> : vector<256x1024xf32>
    %dot_general3A_670 = tpu.matmul %sub3A_598, %get3A_668, %dot_general3A_669 {dimension_numbers = #tpu.dot_dimension_numbers<[1], [0], [0], [1], [0, 0, 1, 1], [], []>, transpose_lhs_hint = false} : vector<256x256xf32>, vector<256x1024xf32>, vector<256x1024xf32> -> vector<256x1024xf32>
    %mul3A_671 = arith.constant 2.000000e+00 : f32
    %mul3A_672 = vector.broadcast %mul3A_671 : f32 to vector<256x1024xf32>
    %mul3A_673 = arith.mulf %mul3A_672, %dot_general3A_670 : vector<256x1024xf32>
    %sub3A_674 = vector.broadcast %broadcast_in_dim3A_663 : vector<256x1xf32> to vector<256x1024xf32>
    %sub3A_675 = arith.subf %sub3A_674, %mul3A_673 : vector<256x1024xf32>
    %get3A_676 = arith.constant 5 : index
    %get3A_677 = arith.constant 0 : index
    %get3A_678 = vector.load %arg4[%get3A_676, %get3A_677] : memref<8x1024xf32, #tpu.memory_space<vmem>>, vector<1x1024xf32>
    %get3A_679 = vector.shape_cast %get3A_678 : vector<1x1024xf32> to vector<1024xf32>
    %broadcast_in_dim3A_680 = vector.shape_cast %get3A_679 : vector<1024xf32> to vector<1x1024xf32>
    %add3A_681 = vector.broadcast %broadcast_in_dim3A_680 : vector<1x1024xf32> to vector<256x1024xf32>
    %add3A_682 = arith.addf %sub3A_675, %add3A_681 : vector<256x1024xf32>
    %max3A_683 = arith.constant 0.000000e+00 : f32
    %max3A_684 = vector.broadcast %max3A_683 : f32 to vector<256x1024xf32>
    %max3A_685 = arith.maximumf %add3A_682, %max3A_684 : vector<256x1024xf32>
    %sqrt3A_686 = math.sqrt %max3A_685 : vector<256x1024xf32>
    %reduce_min3A_687 = arith.constant dense<0x7F800000> : vector<256xf32>
    %reduce_min3A_688 = vector.multi_reduction <minimumf>, %sqrt3A_686, %reduce_min3A_687 [1] : vector<256x1024xf32> to vector<256xf32>
    %broadcast_in_dim3A_689 = vector.shape_cast %reduce_min3A_688 : vector<256xf32> to vector<256x1xf32>
    %eq3A_690 = vector.broadcast %broadcast_in_dim3A_689 : vector<256x1xf32> to vector<256x1024xf32>
    %eq3A_691 = arith.cmpf oeq, %sqrt3A_686, %eq3A_690 : vector<256x1024xf32>
    %jit3A_692 = arith.constant 1.024000e+03 : f32
    %broadcast_in_dim3A_693 = vector.broadcast %jit3A_692 : f32 to vector<256x1024xf32>
    %select_n3A_694 = arith.select %eq3A_691, %convert_element_type3A, %broadcast_in_dim3A_693 : vector<256x1024xi1>, vector<256x1024xf32>
    %reduce_min3A_695 = arith.constant dense<0x7F800000> : vector<256xf32>
    %reduce_min3A_696 = vector.multi_reduction <minimumf>, %select_n3A_694, %reduce_min3A_695 [1] : vector<256x1024xf32> to vector<256xf32>
    %broadcast_in_dim3A_697 = vector.shape_cast %reduce_min3A_696 : vector<256xf32> to vector<256x1xf32>
    %eq3A_698 = vector.broadcast %broadcast_in_dim3A_697 : vector<256x1xf32> to vector<256x1024xf32>
    %eq3A_699 = arith.cmpf oeq, %convert_element_type3A, %eq3A_698 : vector<256x1024xf32>
    %convert_element_type3A_700 = arith.extui %eq3A_699 : vector<256x1024xi1> to vector<256x1024xi32>
    %convert_element_type3A_701 = arith.sitofp %convert_element_type3A_700 : vector<256x1024xi32> to vector<256x1024xf32>
    %get3A_702 = arith.constant 5 : index
    %get3A_703 = arith.constant 0 : index
    %get3A_704 = arith.constant 0 : index
    %get3A_705 = vector.load %arg2[%get3A_702, %get3A_703, %get3A_704] : memref<8x1024x256xf32, #tpu.memory_space<vmem>>, vector<1x1024x256xf32>
    %get3A_706 = vector.shape_cast %get3A_705 : vector<1x1024x256xf32> to vector<1024x256xf32>
    %dot_general3A_707 = arith.constant dense<0.000000e+00> : vector<256x256xf32>
    %dot_general3A_708 = tpu.matmul %convert_element_type3A_701, %get3A_706, %dot_general3A_707 {dimension_numbers = #tpu.dot_dimension_numbers<[1], [0], [0], [1], [0, 0, 1, 1], [], []>, precision = #tpu.contract_precision<fp32>, transpose_lhs_hint = false} : vector<256x1024xf32>, vector<1024x256xf32>, vector<256x256xf32> -> vector<256x256xf32>
    %eq3A_709 = arith.constant 5 : i32
    %eq3A_710 = vector.broadcast %eq3A_709 : i32 to vector<256x8xi32>
    %eq3A_711 = arith.cmpi eq, %iota3A_10, %eq3A_710 : vector<256x8xi32>
    %jit3A_712 = arith.constant 0.000000e+00 : f32
    %broadcast_in_dim3A_713 = vector.shape_cast %broadcast_in_dim3A_697 : vector<256x1xf32> to vector<256x1xf32>
    %broadcast_in_dim3A_714 = vector.broadcast %broadcast_in_dim3A_713 : vector<256x1xf32> to vector<256x8xf32>
    %broadcast_in_dim3A_715 = vector.broadcast %jit3A_712 : f32 to vector<256x8xf32>
    %select_n3A_716 = arith.select %eq3A_711, %broadcast_in_dim3A_714, %broadcast_in_dim3A_715 : vector<256x8xi1>, vector<256x8xf32>
    %add3A_717 = arith.addf %add3A_597, %select_n3A_716 : vector<256x8xf32>
    %sub3A_718 = arith.subf %sub3A_598, %dot_general3A_708 : vector<256x256xf32>
    %add3A_719 = arith.addf %add3A_599, %dot_general3A_708 : vector<256x256xf32>
    %mul3A_720 = arith.mulf %sub3A_658, %sub3A_658 : vector<256x256xf32>
    %reduce_sum3A_721 = arith.constant dense<0.000000e+00> : vector<256xf32>
    %reduce_sum3A_722 = vector.multi_reduction <add>, %mul3A_720, %reduce_sum3A_721 [1] : vector<256x256xf32> to vector<256xf32>
    %broadcast_in_dim3A_723 = vector.shape_cast %reduce_sum3A_722 : vector<256xf32> to vector<256x1xf32>
    %get3A_724 = arith.constant 6 : index
    %get3A_725 = arith.constant 0 : index
    %get3A_726 = arith.constant 0 : index
    %get3A_727 = vector.load %arg3[%get3A_724, %get3A_725, %get3A_726] : memref<8x256x1024xf32, #tpu.memory_space<vmem>>, vector<1x256x1024xf32>
    %get3A_728 = vector.shape_cast %get3A_727 : vector<1x256x1024xf32> to vector<256x1024xf32>
    %dot_general3A_729 = arith.constant dense<0.000000e+00> : vector<256x1024xf32>
    %dot_general3A_730 = tpu.matmul %sub3A_658, %get3A_728, %dot_general3A_729 {dimension_numbers = #tpu.dot_dimension_numbers<[1], [0], [0], [1], [0, 0, 1, 1], [], []>, transpose_lhs_hint = false} : vector<256x256xf32>, vector<256x1024xf32>, vector<256x1024xf32> -> vector<256x1024xf32>
    %mul3A_731 = arith.constant 2.000000e+00 : f32
    %mul3A_732 = vector.broadcast %mul3A_731 : f32 to vector<256x1024xf32>
    %mul3A_733 = arith.mulf %mul3A_732, %dot_general3A_730 : vector<256x1024xf32>
    %sub3A_734 = vector.broadcast %broadcast_in_dim3A_723 : vector<256x1xf32> to vector<256x1024xf32>
    %sub3A_735 = arith.subf %sub3A_734, %mul3A_733 : vector<256x1024xf32>
    %get3A_736 = arith.constant 6 : index
    %get3A_737 = arith.constant 0 : index
    %get3A_738 = vector.load %arg4[%get3A_736, %get3A_737] : memref<8x1024xf32, #tpu.memory_space<vmem>>, vector<1x1024xf32>
    %get3A_739 = vector.shape_cast %get3A_738 : vector<1x1024xf32> to vector<1024xf32>
    %broadcast_in_dim3A_740 = vector.shape_cast %get3A_739 : vector<1024xf32> to vector<1x1024xf32>
    %add3A_741 = vector.broadcast %broadcast_in_dim3A_740 : vector<1x1024xf32> to vector<256x1024xf32>
    %add3A_742 = arith.addf %sub3A_735, %add3A_741 : vector<256x1024xf32>
    %max3A_743 = arith.constant 0.000000e+00 : f32
    %max3A_744 = vector.broadcast %max3A_743 : f32 to vector<256x1024xf32>
    %max3A_745 = arith.maximumf %add3A_742, %max3A_744 : vector<256x1024xf32>
    %sqrt3A_746 = math.sqrt %max3A_745 : vector<256x1024xf32>
    %reduce_min3A_747 = arith.constant dense<0x7F800000> : vector<256xf32>
    %reduce_min3A_748 = vector.multi_reduction <minimumf>, %sqrt3A_746, %reduce_min3A_747 [1] : vector<256x1024xf32> to vector<256xf32>
    %broadcast_in_dim3A_749 = vector.shape_cast %reduce_min3A_748 : vector<256xf32> to vector<256x1xf32>
    %eq3A_750 = vector.broadcast %broadcast_in_dim3A_749 : vector<256x1xf32> to vector<256x1024xf32>
    %eq3A_751 = arith.cmpf oeq, %sqrt3A_746, %eq3A_750 : vector<256x1024xf32>
    %jit3A_752 = arith.constant 1.024000e+03 : f32
    %broadcast_in_dim3A_753 = vector.broadcast %jit3A_752 : f32 to vector<256x1024xf32>
    %select_n3A_754 = arith.select %eq3A_751, %convert_element_type3A, %broadcast_in_dim3A_753 : vector<256x1024xi1>, vector<256x1024xf32>
    %reduce_min3A_755 = arith.constant dense<0x7F800000> : vector<256xf32>
    %reduce_min3A_756 = vector.multi_reduction <minimumf>, %select_n3A_754, %reduce_min3A_755 [1] : vector<256x1024xf32> to vector<256xf32>
    %broadcast_in_dim3A_757 = vector.shape_cast %reduce_min3A_756 : vector<256xf32> to vector<256x1xf32>
    %eq3A_758 = vector.broadcast %broadcast_in_dim3A_757 : vector<256x1xf32> to vector<256x1024xf32>
    %eq3A_759 = arith.cmpf oeq, %convert_element_type3A, %eq3A_758 : vector<256x1024xf32>
    %convert_element_type3A_760 = arith.extui %eq3A_759 : vector<256x1024xi1> to vector<256x1024xi32>
    %convert_element_type3A_761 = arith.sitofp %convert_element_type3A_760 : vector<256x1024xi32> to vector<256x1024xf32>
    %get3A_762 = arith.constant 6 : index
    %get3A_763 = arith.constant 0 : index
    %get3A_764 = arith.constant 0 : index
    %get3A_765 = vector.load %arg2[%get3A_762, %get3A_763, %get3A_764] : memref<8x1024x256xf32, #tpu.memory_space<vmem>>, vector<1x1024x256xf32>
    %get3A_766 = vector.shape_cast %get3A_765 : vector<1x1024x256xf32> to vector<1024x256xf32>
    %dot_general3A_767 = arith.constant dense<0.000000e+00> : vector<256x256xf32>
    %dot_general3A_768 = tpu.matmul %convert_element_type3A_761, %get3A_766, %dot_general3A_767 {dimension_numbers = #tpu.dot_dimension_numbers<[1], [0], [0], [1], [0, 0, 1, 1], [], []>, precision = #tpu.contract_precision<fp32>, transpose_lhs_hint = false} : vector<256x1024xf32>, vector<1024x256xf32>, vector<256x256xf32> -> vector<256x256xf32>
    %eq3A_769 = arith.constant 6 : i32
    %eq3A_770 = vector.broadcast %eq3A_769 : i32 to vector<256x8xi32>
    %eq3A_771 = arith.cmpi eq, %iota3A_10, %eq3A_770 : vector<256x8xi32>
    %jit3A_772 = arith.constant 0.000000e+00 : f32
    %broadcast_in_dim3A_773 = vector.shape_cast %broadcast_in_dim3A_757 : vector<256x1xf32> to vector<256x1xf32>
    %broadcast_in_dim3A_774 = vector.broadcast %broadcast_in_dim3A_773 : vector<256x1xf32> to vector<256x8xf32>
    %broadcast_in_dim3A_775 = vector.broadcast %jit3A_772 : f32 to vector<256x8xf32>
    %select_n3A_776 = arith.select %eq3A_771, %broadcast_in_dim3A_774, %broadcast_in_dim3A_775 : vector<256x8xi1>, vector<256x8xf32>
    %add3A_777 = arith.addf %add3A_657, %select_n3A_776 : vector<256x8xf32>
    %sub3A_778 = arith.subf %sub3A_658, %dot_general3A_768 : vector<256x256xf32>
    %add3A_779 = arith.addf %add3A_659, %dot_general3A_768 : vector<256x256xf32>
    %mul3A_780 = arith.mulf %sub3A_718, %sub3A_718 : vector<256x256xf32>
    %reduce_sum3A_781 = arith.constant dense<0.000000e+00> : vector<256xf32>
    %reduce_sum3A_782 = vector.multi_reduction <add>, %mul3A_780, %reduce_sum3A_781 [1] : vector<256x256xf32> to vector<256xf32>
    %broadcast_in_dim3A_783 = vector.shape_cast %reduce_sum3A_782 : vector<256xf32> to vector<256x1xf32>
    %get3A_784 = arith.constant 6 : index
    %get3A_785 = arith.constant 0 : index
    %get3A_786 = arith.constant 0 : index
    %get3A_787 = vector.load %arg3[%get3A_784, %get3A_785, %get3A_786] : memref<8x256x1024xf32, #tpu.memory_space<vmem>>, vector<1x256x1024xf32>
    %get3A_788 = vector.shape_cast %get3A_787 : vector<1x256x1024xf32> to vector<256x1024xf32>
    %dot_general3A_789 = arith.constant dense<0.000000e+00> : vector<256x1024xf32>
    %dot_general3A_790 = tpu.matmul %sub3A_718, %get3A_788, %dot_general3A_789 {dimension_numbers = #tpu.dot_dimension_numbers<[1], [0], [0], [1], [0, 0, 1, 1], [], []>, transpose_lhs_hint = false} : vector<256x256xf32>, vector<256x1024xf32>, vector<256x1024xf32> -> vector<256x1024xf32>
    %mul3A_791 = arith.constant 2.000000e+00 : f32
    %mul3A_792 = vector.broadcast %mul3A_791 : f32 to vector<256x1024xf32>
    %mul3A_793 = arith.mulf %mul3A_792, %dot_general3A_790 : vector<256x1024xf32>
    %sub3A_794 = vector.broadcast %broadcast_in_dim3A_783 : vector<256x1xf32> to vector<256x1024xf32>
    %sub3A_795 = arith.subf %sub3A_794, %mul3A_793 : vector<256x1024xf32>
    %get3A_796 = arith.constant 6 : index
    %get3A_797 = arith.constant 0 : index
    %get3A_798 = vector.load %arg4[%get3A_796, %get3A_797] : memref<8x1024xf32, #tpu.memory_space<vmem>>, vector<1x1024xf32>
    %get3A_799 = vector.shape_cast %get3A_798 : vector<1x1024xf32> to vector<1024xf32>
    %broadcast_in_dim3A_800 = vector.shape_cast %get3A_799 : vector<1024xf32> to vector<1x1024xf32>
    %add3A_801 = vector.broadcast %broadcast_in_dim3A_800 : vector<1x1024xf32> to vector<256x1024xf32>
    %add3A_802 = arith.addf %sub3A_795, %add3A_801 : vector<256x1024xf32>
    %max3A_803 = arith.constant 0.000000e+00 : f32
    %max3A_804 = vector.broadcast %max3A_803 : f32 to vector<256x1024xf32>
    %max3A_805 = arith.maximumf %add3A_802, %max3A_804 : vector<256x1024xf32>
    %sqrt3A_806 = math.sqrt %max3A_805 : vector<256x1024xf32>
    %reduce_min3A_807 = arith.constant dense<0x7F800000> : vector<256xf32>
    %reduce_min3A_808 = vector.multi_reduction <minimumf>, %sqrt3A_806, %reduce_min3A_807 [1] : vector<256x1024xf32> to vector<256xf32>
    %broadcast_in_dim3A_809 = vector.shape_cast %reduce_min3A_808 : vector<256xf32> to vector<256x1xf32>
    %eq3A_810 = vector.broadcast %broadcast_in_dim3A_809 : vector<256x1xf32> to vector<256x1024xf32>
    %eq3A_811 = arith.cmpf oeq, %sqrt3A_806, %eq3A_810 : vector<256x1024xf32>
    %jit3A_812 = arith.constant 1.024000e+03 : f32
    %broadcast_in_dim3A_813 = vector.broadcast %jit3A_812 : f32 to vector<256x1024xf32>
    %select_n3A_814 = arith.select %eq3A_811, %convert_element_type3A, %broadcast_in_dim3A_813 : vector<256x1024xi1>, vector<256x1024xf32>
    %reduce_min3A_815 = arith.constant dense<0x7F800000> : vector<256xf32>
    %reduce_min3A_816 = vector.multi_reduction <minimumf>, %select_n3A_814, %reduce_min3A_815 [1] : vector<256x1024xf32> to vector<256xf32>
    %broadcast_in_dim3A_817 = vector.shape_cast %reduce_min3A_816 : vector<256xf32> to vector<256x1xf32>
    %eq3A_818 = vector.broadcast %broadcast_in_dim3A_817 : vector<256x1xf32> to vector<256x1024xf32>
    %eq3A_819 = arith.cmpf oeq, %convert_element_type3A, %eq3A_818 : vector<256x1024xf32>
    %convert_element_type3A_820 = arith.extui %eq3A_819 : vector<256x1024xi1> to vector<256x1024xi32>
    %convert_element_type3A_821 = arith.sitofp %convert_element_type3A_820 : vector<256x1024xi32> to vector<256x1024xf32>
    %get3A_822 = arith.constant 6 : index
    %get3A_823 = arith.constant 0 : index
    %get3A_824 = arith.constant 0 : index
    %get3A_825 = vector.load %arg2[%get3A_822, %get3A_823, %get3A_824] : memref<8x1024x256xf32, #tpu.memory_space<vmem>>, vector<1x1024x256xf32>
    %get3A_826 = vector.shape_cast %get3A_825 : vector<1x1024x256xf32> to vector<1024x256xf32>
    %dot_general3A_827 = arith.constant dense<0.000000e+00> : vector<256x256xf32>
    %dot_general3A_828 = tpu.matmul %convert_element_type3A_821, %get3A_826, %dot_general3A_827 {dimension_numbers = #tpu.dot_dimension_numbers<[1], [0], [0], [1], [0, 0, 1, 1], [], []>, precision = #tpu.contract_precision<fp32>, transpose_lhs_hint = false} : vector<256x1024xf32>, vector<1024x256xf32>, vector<256x256xf32> -> vector<256x256xf32>
    %eq3A_829 = arith.constant 6 : i32
    %eq3A_830 = vector.broadcast %eq3A_829 : i32 to vector<256x8xi32>
    %eq3A_831 = arith.cmpi eq, %iota3A_10, %eq3A_830 : vector<256x8xi32>
    %jit3A_832 = arith.constant 0.000000e+00 : f32
    %broadcast_in_dim3A_833 = vector.shape_cast %broadcast_in_dim3A_817 : vector<256x1xf32> to vector<256x1xf32>
    %broadcast_in_dim3A_834 = vector.broadcast %broadcast_in_dim3A_833 : vector<256x1xf32> to vector<256x8xf32>
    %broadcast_in_dim3A_835 = vector.broadcast %jit3A_832 : f32 to vector<256x8xf32>
    %select_n3A_836 = arith.select %eq3A_831, %broadcast_in_dim3A_834, %broadcast_in_dim3A_835 : vector<256x8xi1>, vector<256x8xf32>
    %add3A_837 = arith.addf %add3A_717, %select_n3A_836 : vector<256x8xf32>
    %sub3A_838 = arith.subf %sub3A_718, %dot_general3A_828 : vector<256x256xf32>
    %add3A_839 = arith.addf %add3A_719, %dot_general3A_828 : vector<256x256xf32>
    %mul3A_840 = arith.mulf %sub3A_778, %sub3A_778 : vector<256x256xf32>
    %reduce_sum3A_841 = arith.constant dense<0.000000e+00> : vector<256xf32>
    %reduce_sum3A_842 = vector.multi_reduction <add>, %mul3A_840, %reduce_sum3A_841 [1] : vector<256x256xf32> to vector<256xf32>
    %broadcast_in_dim3A_843 = vector.shape_cast %reduce_sum3A_842 : vector<256xf32> to vector<256x1xf32>
    %get3A_844 = arith.constant 7 : index
    %get3A_845 = arith.constant 0 : index
    %get3A_846 = arith.constant 0 : index
    %get3A_847 = vector.load %arg3[%get3A_844, %get3A_845, %get3A_846] : memref<8x256x1024xf32, #tpu.memory_space<vmem>>, vector<1x256x1024xf32>
    %get3A_848 = vector.shape_cast %get3A_847 : vector<1x256x1024xf32> to vector<256x1024xf32>
    %dot_general3A_849 = arith.constant dense<0.000000e+00> : vector<256x1024xf32>
    %dot_general3A_850 = tpu.matmul %sub3A_778, %get3A_848, %dot_general3A_849 {dimension_numbers = #tpu.dot_dimension_numbers<[1], [0], [0], [1], [0, 0, 1, 1], [], []>, transpose_lhs_hint = false} : vector<256x256xf32>, vector<256x1024xf32>, vector<256x1024xf32> -> vector<256x1024xf32>
    %mul3A_851 = arith.constant 2.000000e+00 : f32
    %mul3A_852 = vector.broadcast %mul3A_851 : f32 to vector<256x1024xf32>
    %mul3A_853 = arith.mulf %mul3A_852, %dot_general3A_850 : vector<256x1024xf32>
    %sub3A_854 = vector.broadcast %broadcast_in_dim3A_843 : vector<256x1xf32> to vector<256x1024xf32>
    %sub3A_855 = arith.subf %sub3A_854, %mul3A_853 : vector<256x1024xf32>
    %get3A_856 = arith.constant 7 : index
    %get3A_857 = arith.constant 0 : index
    %get3A_858 = vector.load %arg4[%get3A_856, %get3A_857] : memref<8x1024xf32, #tpu.memory_space<vmem>>, vector<1x1024xf32>
    %get3A_859 = vector.shape_cast %get3A_858 : vector<1x1024xf32> to vector<1024xf32>
    %broadcast_in_dim3A_860 = vector.shape_cast %get3A_859 : vector<1024xf32> to vector<1x1024xf32>
    %add3A_861 = vector.broadcast %broadcast_in_dim3A_860 : vector<1x1024xf32> to vector<256x1024xf32>
    %add3A_862 = arith.addf %sub3A_855, %add3A_861 : vector<256x1024xf32>
    %max3A_863 = arith.constant 0.000000e+00 : f32
    %max3A_864 = vector.broadcast %max3A_863 : f32 to vector<256x1024xf32>
    %max3A_865 = arith.maximumf %add3A_862, %max3A_864 : vector<256x1024xf32>
    %sqrt3A_866 = math.sqrt %max3A_865 : vector<256x1024xf32>
    %reduce_min3A_867 = arith.constant dense<0x7F800000> : vector<256xf32>
    %reduce_min3A_868 = vector.multi_reduction <minimumf>, %sqrt3A_866, %reduce_min3A_867 [1] : vector<256x1024xf32> to vector<256xf32>
    %broadcast_in_dim3A_869 = vector.shape_cast %reduce_min3A_868 : vector<256xf32> to vector<256x1xf32>
    %eq3A_870 = vector.broadcast %broadcast_in_dim3A_869 : vector<256x1xf32> to vector<256x1024xf32>
    %eq3A_871 = arith.cmpf oeq, %sqrt3A_866, %eq3A_870 : vector<256x1024xf32>
    %jit3A_872 = arith.constant 1.024000e+03 : f32
    %broadcast_in_dim3A_873 = vector.broadcast %jit3A_872 : f32 to vector<256x1024xf32>
    %select_n3A_874 = arith.select %eq3A_871, %convert_element_type3A, %broadcast_in_dim3A_873 : vector<256x1024xi1>, vector<256x1024xf32>
    %reduce_min3A_875 = arith.constant dense<0x7F800000> : vector<256xf32>
    %reduce_min3A_876 = vector.multi_reduction <minimumf>, %select_n3A_874, %reduce_min3A_875 [1] : vector<256x1024xf32> to vector<256xf32>
    %broadcast_in_dim3A_877 = vector.shape_cast %reduce_min3A_876 : vector<256xf32> to vector<256x1xf32>
    %eq3A_878 = vector.broadcast %broadcast_in_dim3A_877 : vector<256x1xf32> to vector<256x1024xf32>
    %eq3A_879 = arith.cmpf oeq, %convert_element_type3A, %eq3A_878 : vector<256x1024xf32>
    %convert_element_type3A_880 = arith.extui %eq3A_879 : vector<256x1024xi1> to vector<256x1024xi32>
    %convert_element_type3A_881 = arith.sitofp %convert_element_type3A_880 : vector<256x1024xi32> to vector<256x1024xf32>
    %get3A_882 = arith.constant 7 : index
    %get3A_883 = arith.constant 0 : index
    %get3A_884 = arith.constant 0 : index
    %get3A_885 = vector.load %arg2[%get3A_882, %get3A_883, %get3A_884] : memref<8x1024x256xf32, #tpu.memory_space<vmem>>, vector<1x1024x256xf32>
    %get3A_886 = vector.shape_cast %get3A_885 : vector<1x1024x256xf32> to vector<1024x256xf32>
    %dot_general3A_887 = arith.constant dense<0.000000e+00> : vector<256x256xf32>
    %dot_general3A_888 = tpu.matmul %convert_element_type3A_881, %get3A_886, %dot_general3A_887 {dimension_numbers = #tpu.dot_dimension_numbers<[1], [0], [0], [1], [0, 0, 1, 1], [], []>, precision = #tpu.contract_precision<fp32>, transpose_lhs_hint = false} : vector<256x1024xf32>, vector<1024x256xf32>, vector<256x256xf32> -> vector<256x256xf32>
    %eq3A_889 = arith.constant 7 : i32
    %eq3A_890 = vector.broadcast %eq3A_889 : i32 to vector<256x8xi32>
    %eq3A_891 = arith.cmpi eq, %iota3A_10, %eq3A_890 : vector<256x8xi32>
    %jit3A_892 = arith.constant 0.000000e+00 : f32
    %broadcast_in_dim3A_893 = vector.shape_cast %broadcast_in_dim3A_877 : vector<256x1xf32> to vector<256x1xf32>
    %broadcast_in_dim3A_894 = vector.broadcast %broadcast_in_dim3A_893 : vector<256x1xf32> to vector<256x8xf32>
    %broadcast_in_dim3A_895 = vector.broadcast %jit3A_892 : f32 to vector<256x8xf32>
    %select_n3A_896 = arith.select %eq3A_891, %broadcast_in_dim3A_894, %broadcast_in_dim3A_895 : vector<256x8xi1>, vector<256x8xf32>
    %add3A_897 = arith.addf %add3A_777, %select_n3A_896 : vector<256x8xf32>
    %add3A_898 = arith.addf %add3A_779, %dot_general3A_888 : vector<256x256xf32>
    %mul3A_899 = arith.mulf %sub3A_838, %sub3A_838 : vector<256x256xf32>
    %reduce_sum3A_900 = arith.constant dense<0.000000e+00> : vector<256xf32>
    %reduce_sum3A_901 = vector.multi_reduction <add>, %mul3A_899, %reduce_sum3A_900 [1] : vector<256x256xf32> to vector<256xf32>
    %broadcast_in_dim3A_902 = vector.shape_cast %reduce_sum3A_901 : vector<256xf32> to vector<256x1xf32>
    %get3A_903 = arith.constant 7 : index
    %get3A_904 = arith.constant 0 : index
    %get3A_905 = arith.constant 0 : index
    %get3A_906 = vector.load %arg3[%get3A_903, %get3A_904, %get3A_905] : memref<8x256x1024xf32, #tpu.memory_space<vmem>>, vector<1x256x1024xf32>
    %get3A_907 = vector.shape_cast %get3A_906 : vector<1x256x1024xf32> to vector<256x1024xf32>
    %dot_general3A_908 = arith.constant dense<0.000000e+00> : vector<256x1024xf32>
    %dot_general3A_909 = tpu.matmul %sub3A_838, %get3A_907, %dot_general3A_908 {dimension_numbers = #tpu.dot_dimension_numbers<[1], [0], [0], [1], [0, 0, 1, 1], [], []>, transpose_lhs_hint = false} : vector<256x256xf32>, vector<256x1024xf32>, vector<256x1024xf32> -> vector<256x1024xf32>
    %mul3A_910 = arith.constant 2.000000e+00 : f32
    %mul3A_911 = vector.broadcast %mul3A_910 : f32 to vector<256x1024xf32>
    %mul3A_912 = arith.mulf %mul3A_911, %dot_general3A_909 : vector<256x1024xf32>
    %sub3A_913 = vector.broadcast %broadcast_in_dim3A_902 : vector<256x1xf32> to vector<256x1024xf32>
    %sub3A_914 = arith.subf %sub3A_913, %mul3A_912 : vector<256x1024xf32>
    %get3A_915 = arith.constant 7 : index
    %get3A_916 = arith.constant 0 : index
    %get3A_917 = vector.load %arg4[%get3A_915, %get3A_916] : memref<8x1024xf32, #tpu.memory_space<vmem>>, vector<1x1024xf32>
    %get3A_918 = vector.shape_cast %get3A_917 : vector<1x1024xf32> to vector<1024xf32>
    %broadcast_in_dim3A_919 = vector.shape_cast %get3A_918 : vector<1024xf32> to vector<1x1024xf32>
    %add3A_920 = vector.broadcast %broadcast_in_dim3A_919 : vector<1x1024xf32> to vector<256x1024xf32>
    %add3A_921 = arith.addf %sub3A_914, %add3A_920 : vector<256x1024xf32>
    %max3A_922 = arith.constant 0.000000e+00 : f32
    %max3A_923 = vector.broadcast %max3A_922 : f32 to vector<256x1024xf32>
    %max3A_924 = arith.maximumf %add3A_921, %max3A_923 : vector<256x1024xf32>
    %sqrt3A_925 = math.sqrt %max3A_924 : vector<256x1024xf32>
    %reduce_min3A_926 = arith.constant dense<0x7F800000> : vector<256xf32>
    %reduce_min3A_927 = vector.multi_reduction <minimumf>, %sqrt3A_925, %reduce_min3A_926 [1] : vector<256x1024xf32> to vector<256xf32>
    %broadcast_in_dim3A_928 = vector.shape_cast %reduce_min3A_927 : vector<256xf32> to vector<256x1xf32>
    %eq3A_929 = vector.broadcast %broadcast_in_dim3A_928 : vector<256x1xf32> to vector<256x1024xf32>
    %eq3A_930 = arith.cmpf oeq, %sqrt3A_925, %eq3A_929 : vector<256x1024xf32>
    %jit3A_931 = arith.constant 1.024000e+03 : f32
    %broadcast_in_dim3A_932 = vector.broadcast %jit3A_931 : f32 to vector<256x1024xf32>
    %select_n3A_933 = arith.select %eq3A_930, %convert_element_type3A, %broadcast_in_dim3A_932 : vector<256x1024xi1>, vector<256x1024xf32>
    %reduce_min3A_934 = arith.constant dense<0x7F800000> : vector<256xf32>
    %reduce_min3A_935 = vector.multi_reduction <minimumf>, %select_n3A_933, %reduce_min3A_934 [1] : vector<256x1024xf32> to vector<256xf32>
    %broadcast_in_dim3A_936 = vector.shape_cast %reduce_min3A_935 : vector<256xf32> to vector<256x1xf32>
    %eq3A_937 = vector.broadcast %broadcast_in_dim3A_936 : vector<256x1xf32> to vector<256x1024xf32>
    %eq3A_938 = arith.cmpf oeq, %convert_element_type3A, %eq3A_937 : vector<256x1024xf32>
    %convert_element_type3A_939 = arith.extui %eq3A_938 : vector<256x1024xi1> to vector<256x1024xi32>
    %convert_element_type3A_940 = arith.sitofp %convert_element_type3A_939 : vector<256x1024xi32> to vector<256x1024xf32>
    %get3A_941 = arith.constant 7 : index
    %get3A_942 = arith.constant 0 : index
    %get3A_943 = arith.constant 0 : index
    %get3A_944 = vector.load %arg2[%get3A_941, %get3A_942, %get3A_943] : memref<8x1024x256xf32, #tpu.memory_space<vmem>>, vector<1x1024x256xf32>
    %get3A_945 = vector.shape_cast %get3A_944 : vector<1x1024x256xf32> to vector<1024x256xf32>
    %dot_general3A_946 = arith.constant dense<0.000000e+00> : vector<256x256xf32>
    %dot_general3A_947 = tpu.matmul %convert_element_type3A_940, %get3A_945, %dot_general3A_946 {dimension_numbers = #tpu.dot_dimension_numbers<[1], [0], [0], [1], [0, 0, 1, 1], [], []>, precision = #tpu.contract_precision<fp32>, transpose_lhs_hint = false} : vector<256x1024xf32>, vector<1024x256xf32>, vector<256x256xf32> -> vector<256x256xf32>
    %eq3A_948 = arith.constant 7 : i32
    %eq3A_949 = vector.broadcast %eq3A_948 : i32 to vector<256x8xi32>
    %eq3A_950 = arith.cmpi eq, %iota3A_10, %eq3A_949 : vector<256x8xi32>
    %jit3A_951 = arith.constant 0.000000e+00 : f32
    %broadcast_in_dim3A_952 = vector.shape_cast %broadcast_in_dim3A_936 : vector<256x1xf32> to vector<256x1xf32>
    %broadcast_in_dim3A_953 = vector.broadcast %broadcast_in_dim3A_952 : vector<256x1xf32> to vector<256x8xf32>
    %broadcast_in_dim3A_954 = vector.broadcast %jit3A_951 : f32 to vector<256x8xf32>
    %select_n3A_955 = arith.select %eq3A_950, %broadcast_in_dim3A_953, %broadcast_in_dim3A_954 : vector<256x8xi1>, vector<256x8xf32>
    %add3A_956 = arith.addf %add3A_837, %select_n3A_955 : vector<256x8xf32>
    %add3A_957 = arith.addf %add3A_839, %dot_general3A_947 : vector<256x256xf32>
    %get3A_958 = arith.constant 0 : index
    %get3A_959 = arith.constant 0 : index
    %get3A_960 = vector.load %arg5[%get3A_958, %get3A_959] : memref<256x256xf32, #tpu.memory_space<vmem>>, vector<256x256xf32>
    %dot_general3A_961 = arith.constant dense<0.000000e+00> : vector<8x256xf32>
    %dot_general3A_962 = tpu.matmul %add3A_897, %get3A_960, %dot_general3A_961 {dimension_numbers = #tpu.dot_dimension_numbers<[0], [0], [1], [1], [0, 1, 1, 1], [], []>, precision = #tpu.contract_precision<fp32>, transpose_lhs_hint = false} : vector<256x8xf32>, vector<256x256xf32>, vector<8x256xf32> -> vector<8x256xf32>
    %convert_element_type3A_963 = arith.fptosi %dot_general3A_962 : vector<8x256xf32> to vector<8x256xi32>
    %swap3A = arith.constant 0 : index
    %swap3A_964 = arith.constant 0 : index
    %swap3A_965 = vector.load %arg7[%swap3A, %swap3A_964] : memref<8x512xi32, #tpu.memory_space<vmem>>, vector<8x256xi32>
    tpu.vector_store %arg7[%swap3A, %swap3A_964], %convert_element_type3A_963 {strides = array<i32>} : memref<8x512xi32, #tpu.memory_space<vmem>>, vector<8x256xi32>,
    %get3A_966 = arith.constant 0 : index
    %get3A_967 = arith.constant 0 : index
    %get3A_968 = vector.load %arg5[%get3A_966, %get3A_967] : memref<256x256xf32, #tpu.memory_space<vmem>>, vector<256x256xf32>
    %dot_general3A_969 = arith.constant dense<0.000000e+00> : vector<8x256xf32>
    %dot_general3A_970 = tpu.matmul %add3A_956, %get3A_968, %dot_general3A_969 {dimension_numbers = #tpu.dot_dimension_numbers<[0], [0], [1], [1], [0, 1, 1, 1], [], []>, precision = #tpu.contract_precision<fp32>, transpose_lhs_hint = false} : vector<256x8xf32>, vector<256x256xf32>, vector<8x256xf32> -> vector<8x256xf32>
    %convert_element_type3A_971 = arith.fptosi %dot_general3A_970 : vector<8x256xf32> to vector<8x256xi32>
    %swap3A_972 = arith.constant 0 : index
    %swap3A_973 = arith.constant 256 : index
    %swap3A_974 = vector.load %arg7[%swap3A_972, %swap3A_973] : memref<8x512xi32, #tpu.memory_space<vmem>>, vector<8x256xi32>
    tpu.vector_store %arg7[%swap3A_972, %swap3A_973], %convert_element_type3A_971 {strides = array<i32>} : memref<8x512xi32, #tpu.memory_space<vmem>>, vector<8x256xi32>,
    %concatenate3A = tpu.concatenate %add3A_898, %add3A_957 in 0 : vector<256x256xf32>, vector<256x256xf32> -> vector<512x256xf32>
    %sub3A_975 = arith.subf %concatenate3A, %get3A_1 : vector<512x256xf32>
    %add3A_976 = arith.addf %get3A_1, %sub3A_975 : vector<512x256xf32>
    %swap3A_977 = arith.constant 0 : index
    %swap3A_978 = arith.constant 0 : index
    %swap3A_979 = vector.load %arg6[%swap3A_977, %swap3A_978] : memref<512x256xf32, #tpu.memory_space<vmem>>, vector<512x256xf32>
    tpu.vector_store %arg6[%swap3A_977, %swap3A_978], %add3A_976 {strides = array<i32>} : memref<512x256xf32, #tpu.memory_space<vmem>>, vector<512x256xf32>,
    return
  }
  func.func @transform_0(%arg0: i32) -> (i32, i32) {
    %c0_i32 = arith.constant 0 : i32
    %c0_i32_0 = arith.constant 0 : i32
    return %arg0, %c0_i32 : i32, i32
  }
  func.func @transform_1(%arg0: i32) -> (i32, i32, i32) {
    %c0_i32 = arith.constant 0 : i32
    %c0_i32_0 = arith.constant 0 : i32
    %c0_i32_1 = arith.constant 0 : i32
    %c0_i32_2 = arith.constant 0 : i32
    return %c0_i32, %c0_i32_0, %c0_i32_1 : i32, i32, i32
  }
  func.func @transform_2(%arg0: i32) -> (i32, i32, i32) {
    %c0_i32 = arith.constant 0 : i32
    %c0_i32_0 = arith.constant 0 : i32
    %c0_i32_1 = arith.constant 0 : i32
    %c0_i32_2 = arith.constant 0 : i32
    return %c0_i32, %c0_i32_0, %c0_i32_1 : i32, i32, i32
  }
  func.func @transform_3(%arg0: i32) -> (i32, i32) {
    %c0_i32 = arith.constant 0 : i32
    %c0_i32_0 = arith.constant 0 : i32
    %c0_i32_1 = arith.constant 0 : i32
    return %c0_i32, %c0_i32_0 : i32, i32
  }
  func.func @transform_4(%arg0: i32) -> (i32, i32) {
    %c0_i32 = arith.constant 0 : i32
    %c0_i32_0 = arith.constant 0 : i32
    %c0_i32_1 = arith.constant 0 : i32
    return %c0_i32, %c0_i32_0 : i32, i32
  }
  func.func @transform_5(%arg0: i32) -> (i32, i32) {
    %c0_i32 = arith.constant 0 : i32
    %c0_i32_0 = arith.constant 0 : i32
    return %arg0, %c0_i32 : i32, i32
  }
  func.func @transform_6(%arg0: i32) -> (i32, i32) {
    %c0_i32 = arith.constant 0 : i32
    %c0_i32_0 = arith.constant 0 : i32
    return %c0_i32, %arg0 : i32, i32
  }
}

</mosaic_0001>

<sc_bundles>
// kernel: sparse-core-data-format-call.1.cloned.1.call-start
scs
called_computation.1_lowered:
.L_overlay_start_0:
0x0: {  	s2 =	sld [smem:$0x3FD9]  }
0x1: {  	s3 =	sld [smem:$0x3FFE];
	_ =	sdelay $0x1  }
0x2: {  	s1 =	srdreg.scid  }
0x3: {  	s0 =	sand.u32 $0x1, s1  }
0x4: {  	s16 =	sshll.u32 s0, $0xA;
	s2 =	sadd.s32 s3, s2  }
0x5: {  	s2 =	sadd.s32 s2, s16  }
0x6: {  	[smem:$0x3FC6] =	sst s2  }
0x7: {  	_ = 	snop  }
0x8: {  	s2 =	sld [smem:$0x3FD0];
	_ =	sdelay $0x2  }
0x9: {  	s4 =	simm.s32 $0xA;
	s5 =	simm.s32 $0x10;
	s17 =	sld [smem:$0x3FC9]  }
0xa: {  	[smem:s5], [sflag:s4] =	dma.local [hbm:s2], $0x1  }
0xb: {  	_ =	swait.eq [sflag:s4], $0x1  }
0xc: {  	[sflag:s4] =	ssyncset.done $0x0  }
0xd: {  	[sflag:s4] =	ssyncadd.s32 $0xFFFFFFFF  }
0xe: {  	s18 =	sld [smem:$0x10];
	(tm) =	ssettm $0x1  }
0xf: {  	s19 =	sld [smem:$0x3FFB];
	_ =	sdelay $0x3  }
0x10: {  	_ =	strace s19  }
0x11: {  	s4 =	sld [smem:$0x3FFC];
	_ =	sdelay $0x3  }
0x12: {  	_ =	strace s4  }
0x13: {  	s4 =	sld [smem:$0x3FFD];
	_ =	sdelay $0x3  }
0x14: {  	_ =	strace s4  }
0x15: {  	_ =	strace $0x8FFFFFFF  }
0x16: {  	s20 =	sld [smem:$0x3FDB];
	_ =	sdelay $0x1  }
0x17: {  	s21 =	simm.s32 $_scs_section_size  }
0x18: {  	s6 =	simm.s32 $_size__tile_overlayer_lowered;
	s7 =	simm.s32 $_tile_overlayer_lowered  }
0x19: {  	s24 =	simm.s32 $0x1BFF;
	s23 =	sshll.u32 s7, $0x1;
	s4 =	sadd.s32 s21, s20  }
0x1a: {  	s8 =	simm.s32 $0x0;
	s22 =	sshll.u32 s6, $0x1;
	s6 =	sadd.s32 s23, s4  }
0x1b: {  	[timem:s8], [sflag:s24] =	dma.local [hbm:s6], s22  }
0x1c: {  	_ =	swait.ge [sflag:s24], s22  }
0x1d: {  	s5 =	ssub.s32 $0x0, s22;
	[sflag:s24] =	ssyncset.done $0x0  }
0x1e: {  	[sflag:s24] =	ssyncadd.s32 s5;
	_ =	sdelay $0x1  }
0x1f: {  	s25 =	simm.s32 $0x1B8B  }
0x20: {  	_ =	swait.ge [sflag:s25], $0x1  }
0x21: {  	[sflag:s25] =	ssyncset.done $0x0  }
0x22: {  	s26 =	simm.s32 $0x1B8E;
	[sflag:s25] =	ssyncadd.s32 $0xFFFFFFFF  }
0x23: {  	s27 =	simm.s32 $execute0_lowered;
	[smem:$0x3FD2] =	sst s26  }
0x24: {  	s5 =	sshll.u32 s27, $0x1;
	_ =	strace $0x80000046;
	[dreg:$0x1] =	wrdreg $0xFFFFFFFF  }
0x25: {  	s28 =	simm.s32 $_size_execute0_lowered;
	s4 =	sadd.s32 s4, s5;
	[dreg:$0x0] =	wrdreg $0x0  }
0x26: {  	s5 =	sshll.u32 s28, $0x1;
	[dreg:$0x2] =	wrdreg s4  }
0x27: {  	[dreg:$0x3] =	wrdreg s5  }
0x28: {  	[dreg:$0x4] =	wrdreg $0xC0  }
0x29: {  	_ =	task [dreg:s8], $0x5FFFF  }
0x2a: {  	[dreg:$0x1] =	wrdreg $0xFFFFFFFF  }
0x2b: {  	[dreg:$0x0] =	wrdreg $0x60  }
0x2c: {  	[dreg:$0x2] =	wrdreg s17  }
0x2d: {  	[dreg:$0x3] =	wrdreg s18  }
0x2e: {  	[dreg:$0x4] =	wrdreg $0x9  }
0x2f: {  	_ =	task.clear_ibuf [dreg:s8], $0x5FFFF;
	_ =	strace $0x90000046  }
0x30: {  	s29 =	simm.s32 $0x9;
	_ =	strace $0x80000048  }
0x31: {  	_ =	swait.ge [sflag:s29], $0x1  }
0x32: {  	[sflag:s29] =	ssyncadd.s32 $0xFFFFFFFF  }
0x33: {  	_ =	strace $0x90000048  }
0x34: {  	_ =	sfence  }
0x35: {  	s30 =	sld [smem:$0x0];
	_ =	sdelay $0x2  }
0x36: {  	s31 =	sshll.u32 s1, $0xD;
	s1 =	sshrl.u32 s1, $0x2  }
0x37: {  	s3 =	sand.u32 $0x4000, s31;
	s1 =	sadd.s32 s1, s30  }
0x38: {  	s0 =	sor.u32 s3, s0;
	s1 =	sshll.u32 s1, $0x11  }
0x39: {  	s0 =	sor.u32 s1, s0  }
0x3a: {  	s0 =	sadd.s32 $0x8F2B, s0  }
0x3b: {  	[sflag:s0] =	ssyncadd.remote.s32 $0x1  }
0x3c: {  	_ =	sfence.sel $0xFFFF  }
0x3d: {  	[dreg:$0x0] =	wrdreg $0xFFFFFFFF;
	(pc) =	sbr.abs _section_cstart, $3  }
0x3e: {  	[dreg:$0x1] =	wrdreg $0xFFFFFFFF  }
0x3f: {  	_ =	task.clear_ibuf [dreg:s8], $0x2FFFF;
	_ =	strace $0x9FFFFFFF  }
0x40: {  	(tm) =	ssettm $0x7FFFFFFF  }
0x41: {  	_ =	shalt  }
tec
execute0_lowered:
.L_overlay_start_1:
0x0: {  	(tag) =	ssettag $0x1  }
0x1: {  	s0 =	srdreg.scid;
	s1 =	rddreg [dreg:$0x0]  }
0x2: {  	s2 =	rddreg [dreg:$0x1];
	s5 =	simm.s32 $0x1;
	s7 =	simm.s32 $0x2  }
0x3: {  	s15 =	simm.s32 $0x0;
	p0 =	por $0x0, $0x0;
	s0 =	sshll.u32 s0, $0x7  }
0x4: {  	s8 =	simm.s32 $0x800;
	s13 =	simm.s32 $0x0;
	s3 =	sand.u32 $0x80, s0  }
0x5: {  	s14 =	simm.s32 $0x0;
	s9 =	simm.s32 $0x0;
	s4 =	ssub.s32 $0x100, s3  }
.Ltmp0:
0x6: {  	s11 =	stileid.u32;
	s6 =	sshrl.u32 s4, $0x7;
	(pc) =	sbr.rel .LBB1_1-.Ltmp0, $4  }
0x7: {  	s12 =	simm.s32 $0x0;
	s4 =	sshrl.u32 s4, $0x8;
	s6 =	sand.u32 $0x1, s6  }
0x8: {  	s0 =	rddreg [dreg:$0x2];
	_ =	strace $0x80000047;
	s6 =	sadd.s32 s4, s6  }
0x9: {  	[sflag:s5] =	ssyncpa.u1 $0x0;
	s10 =	smov.u32 s3;
	s6 =	sshll.u32 s6, $0x4  }
0xa: {  	[sflag:s7] =	ssyncpa.u1 $0x0;
	s4 =	stileid.u32;
	s7 =	sor.u32 $0x1, s6  }
.LBB1_4:
0xb: {  	v5 =	vld [tilespmem:s18+$0xFFFFFFD0];
	[tilespmem:s19+$0x2040 ss:$0x81] =	vst.msk $0xffff, v1  }
0xc: {  	v58 =	vld [tilespmem:s18+$0xFFFFFFE0];
	[tilespmem:s19+$0x2850 ss:$0x81] =	vst.msk $0xffff, v2  }
0xd: {  	s20 =	sshra.s32 s20, $0x2;
	v59 =	vld [tilespmem:s18+$0xFFFFFFF0];
	[tilespmem:s19+$0x3060 ss:$0x81] =	vst.msk $0xffff, v3  }
0xe: {  	v60 =	vld [tilespmem:s18+$0x0];
	[tilespmem:s19+$0x0 ss:$0x81] =	vst.msk $0xffff, v0;
	s17 =	sadd.s32 s20, s17  }
0xf: {  	v61 =	vld [tilespmem:s18+$0x10];
	s25 =	sshll.u32 s15, $0x8;
	[tilespmem:s17+$0x3870 ss:$0x81] =	vst.msk $0xffff, v4  }
0x10: {  	s26 =	sshll.u32 s13, $0x3;
	v62 =	vld [tilespmem:s18+$0x20];
	s27 =	sshll.u32 s15, $0x7;
	s30 =	sand.u32 $0x78, s13;
	[tilespmem:s17+$0x810 ss:$0x81] =	vst.msk $0xffff, v5  }
0x11: {  	v63 =	vld [tilespmem:s18+$0xFFFFFFC0];
	s14 =	sshll.u32 s14, $0x10;
	s19 =	sand.u32 $0x7F800, s25;
	s20 =	sand.u32 $0x7FC00, s26;
	[tilespmem:s17+$0x1020 ss:$0x81] =	vst.msk $0xffff, v58  }
0x12: {  	s29 =	sand.u32 $0x300, s27;
	s15 =	sand.u32 $0x80, s27;
	s28 =	sadd.s32 s20, s19;
	[tilespmem:s17+$0x1830 ss:$0x81] =	vst.msk $0xffff, v59  }
0x13: {  	s31 =	sand.u32 $0x7, s13;
	s15 =	sor.u32 s30, s15;
	s18 =	sor.u32 s29, s28;
	[tilespmem:s17+$0x2040 ss:$0x81] =	vst.msk $0xffff, v60  }
0x14: {  	s14 =	sadd.s32 s2, s14;
	s15 =	sshrl.u32 s15, $0x3;
	s18 =	sshrl.u32 s18, $0x3;
	[tilespmem:s17+$0x2850 ss:$0x81] =	vst.msk $0xffff, v61  }
0x15: {  	s13 =	sshll.u32 s31, $0x12;
	s14 =	sadd.s32 s15, s14;
	[tilespmem:s17+$0x3060 ss:$0x81] =	vst.msk $0xffff, v62;
	s18 =	sand.u32 $0xFFE0, s18  }
0x16: {  	s13 =	sor.u32 $0x400, s13;
	[tilespmem:s17+$0x0 ss:$0x81] =	vst.msk $0xffff, v63;
	s14 =	sadd.s32 s18, s14  }
0x17: {  	[hbm4b:s14+s13] =	stream.strided.scatter [tilespmem:s16], [sflag:$0x2], $0x4000, s8, s13, $0x20;
	[tilespmem:$0x10100] =	vst v63  }
.LBB1_5:
0x18: {  	s16 =	sadd.s32 $0x80, s9  }
0x19: {  	s13 =	sadd.s32 $0x100, s10;
	s17 =	smov.u32 s10;
	p2 =	sgt.s32 s16, $0x7FF  }
0x1a: {  	s17 =	smov.u32 @p2 s13  }
0x1b: {  	s19 =	smov.u32 s11;
	s13 =	sadd.s32 $0x10, s11;
	p3 =	sgt.s32 s17, $0xFF  }
0x1c: {  	s19 =	smov.u32 @p3 s13  }
0x1d: {  	s16 =	simm.s32 @p2 $0x0;
	p2 =	sgt.s32 s19, $0xF  }
0x1e: {  	p1 =	slt.u32 s12, $0x2;
	s19 =	smov.u32 @p2 s4;
	p2 =	sne.s32 s12, s7  }
.Ltmp1:
0x1f: {  	s18 =	simm.s32 @!p1 $0x2;
	(pc) =	sbr.rel @!p2 .LBB1_6-.Ltmp1, $4  }
0x20: {  	s15 =	smov.u32 s9;
	s14 =	smov.u32 s11;
	_ =	swait.ge @!p1 [sflag:s18], $0x4000  }
0x21: {  	p0 =	por !p0, !p0;
	[sflag:s18] =	ssyncset.done @!p1 $0x0;
	s9 =	smov.u32 s16  }
0x22: {  	s17 =	smov.u32 @p3 s3;
	s13 =	smov.u32 s10;
	[sflag:s18] =	ssyncadd.s32 @!p1 $0xFFFFC000  }
0x23: {  	s10 =	smov.u32 s17;
	s12 =	sadd.s32 $0x1, s12;
	s11 =	smov.u32 s19  }
.LBB1_1:
0x24: {  	p1 =	sge.u32 s12, s6;
	s31 =	sadd.s32 $0xFFFFFFFF, s12  }
0x25: {  	s16 =	sxor.u32 @!p1 $0xFFFFFFFF, s12;
	s17 =	sand.u32 @!p1 $0x78, s9;
	s18 =	sshll.u32 @!p1 s10, $0xB  }
0x26: {  	s19 =	sshll.u32 @!p1 s10, $0x7;
	s20 =	sshll.u32 @!p1 s9, $0x3;
	s16 =	sshll.u32 @!p1 s16, $0xE  }
0x27: {  	s18 =	sand.u32 @!p1 $0x7C000, s18;
	s19 =	sand.u32 @!p1 $0x380, s19;
	s16 =	sand.u32 @!p1 $0x4000, s16  }
0x28: {  	s18 =	sadd.s32 @!p1 s18, s20;
	s20 =	sand.u32 @!p1 $0x400, s20;
	s17 =	sor.u32 @!p1 s19, s17  }
0x29: {  	s19 =	sshll.u32 @!p1 s11, $0x10;
	s17 =	sor.u32 @!p1 s20, s17;
	s18 =	sshrl.u32 @!p1 s18, $0x3  }
0x2a: {  	s19 =	sadd.s32 @!p1 s1, s19;
	s20 =	sand.u32 @!p1 $0x7, s9;
	s18 =	sand.u32 @!p1 $0xFF00, s18  }
0x2b: {  	s17 =	sshrl.u32 @!p1 s17, $0x3;
	s18 =	sadd.s32 @!p1 s18, s19;
	s19 =	sshll.u32 @!p1 s20, $0x12  }
0x2c: {  	s17 =	sadd.s32 @!p1 s17, s18;
	s18 =	sor.u32 @!p1 $0x400, s19;
	s19 =	simm.s32 @!p1 $0x4000  }
0x2d: {  	[tilespmem:s16], [sflag:$0x1] =	stream.strided.gather @!p1 [hbm4b:s17+s18], $0x4000, s19, s18, $0x38;
	[tilespmem:$0x10100] =	vst v63  }
0x2e: {  	p1 =	sge.u32 s31, s6  }
.Ltmp2:
0x2f: {  	_ = 	snop;
	(pc) =	sbr.rel @p1 .LBB1_5-.Ltmp2, $1  }
0x30: {  	_ =	sdelay $0x3  }
0x31: {  	s16 =	simm.s32 $0x1  }
0x32: {  	_ =	swait.ge [sflag:s5], $0x4000;
	s16 =	simm.s32 @!p0 $0x0  }
0x33: {  	[sflag:s5] =	ssyncset.done $0x0;
	s17 =	sshll.u32 s16, $0xE  }
0x34: {  	[sflag:s5] =	ssyncadd.s32 $0xFFFFC000;
	s18 =	sor.u32 $0x40, s17  }
0x35: {  	s16 =	smul.u32 $0x10200, s16;
	v0 =	vld [tilespmem:s18+$0x30]  }
0x36: {  	v3 =	vld [tilespmem:s18+$0xFFFFFFD0]  }
0x37: {  	s16 =	sshrl.u32 s16, $0x2;
	v4 =	vld [tilespmem:s18+$0xFFFFFFE0]  }
0x38: {  	v5 =	vld [tilespmem:s18+$0xFFFFFFF0];
	s17 =	sor.u32 $0x8000, s16  }
0x39: {  	s31 =	sand.u32 $0x1, s12;
	v1 =	vld [tilespmem:s18+$0x0];
	s19 =	sadd.s32 $0x0, s17  }
0x3a: {  	v2 =	vld [tilespmem:s18+$0x10];
	s16 =	smul.u32 $0x10200, s31;
	[tilespmem:s19+$0x3870 ss:$0x81] =	vst.msk $0xffff, v0  }
0x3b: {  	[tilespmem:s19+$0x810 ss:$0x81] =	vst.msk $0xffff, v3;
	v3 =	vld [tilespmem:s18+$0x20]  }
0x3c: {  	s16 =	sshrl.u32 s16, $0x2;
	v0 =	vld [tilespmem:s18+$0xFFFFFFC0];
	[tilespmem:s19+$0x1020 ss:$0x81] =	vst.msk $0xffff, v4;
	s18 =	sadd.s32 $0x80, s18  }
0x3d: {  	s20 =	simm.s32 $0x4;
	s21 =	simm.s32 $0x8;
	s16 =	sor.u32 $0x8000, s16;
	[tilespmem:s19+$0x1830 ss:$0x81] =	vst.msk $0xffff, v5;
	v4 =	vld [tilespmem:s18+$0x30]  }
.LBB1_3:
0x3e: {  	p1 =	sne.s32 s21, $0x1FC;
	v5 =	vld [tilespmem:s18+$0xFFFFFFD0];
	[tilespmem:s19+$0x2040 ss:$0x81] =	vst.msk $0xffff, v1  }
0x3f: {  	v6 =	vld [tilespmem:s18+$0xFFFFFFE0];
	[tilespmem:s19+$0x2850 ss:$0x81] =	vst.msk $0xffff, v2  }
0x40: {  	s22 =	sshra.s32 s20, $0x2;
	s20 =	smov.u32 s21;
	v7 =	vld [tilespmem:s18+$0xFFFFFFF0];
	[tilespmem:s19+$0x3060 ss:$0x81] =	vst.msk $0xffff, v3  }
.Ltmp3:
0x41: {  	v1 =	vld [tilespmem:s18+$0x0];
	[tilespmem:s19+$0x0 ss:$0x81] =	vst.msk $0xffff, v0;
	s19 =	sadd.s32 s22, s17;
	(pc) =	sbr.rel @p1 .LBB1_3-.Ltmp3, $4  }
0x42: {  	v2 =	vld [tilespmem:s18+$0x10];
	[tilespmem:s19+$0x3870 ss:$0x81] =	vst.msk $0xffff, v4  }
0x43: {  	[tilespmem:s19+$0x810 ss:$0x81] =	vst.msk $0xffff, v5;
	v3 =	vld [tilespmem:s18+$0x20]  }
0x44: {  	v0 =	vld [tilespmem:s18+$0xFFFFFFC0];
	[tilespmem:s19+$0x1020 ss:$0x81] =	vst.msk $0xffff, v6;
	s18 =	sadd.s32 $0x80, s18  }
0x45: {  	s21 =	sadd.s32 $0x4, s21;
	v4 =	vld [tilespmem:s18+$0x30];
	[tilespmem:s19+$0x1830 ss:$0x81] =	vst.msk $0xffff, v7  }
.Ltmp4:
0x46: {  	_ = 	snop;
	(pc) =	sbr.rel .LBB1_4-.Ltmp4, $1  }
0x47: {  	_ =	sdelay $0x3  }
.LBB1_6:
0x48: {  	_ =	sfence.sel $0x180000  }
0x49: {  	s1 =	simm.s32 $0x1;
	[bflag:$0x0] =	sbarrier.arrive $0xFFFF  }
0x4a: {  	s31 =	simm.s32 $0x2;
	[sflag:s1] =	ssyncpa.u1 $0x1  }
0x4b: {  	[sflag:s31] =	ssyncpa.u1 $0x1  }
0x4c: {  	p0 =	sne.s32 s4, $0x0;
	_ =	strace $0x90000047  }
0x4d: {  	s0 =	sadd.s32 @!p0 $0x100000, s0;
	[bflag:$0x2] =	sbarrier.arrive $0xFFFF  }
0x4e: {  	[sflag:s0] =	ssyncadd.tile.s32 @!p0 $0x1;
	_ =	shalt  }
.Lfunc_end1:
_tile_overlayer_lowered:
.L_overlay_start_2:
0x4f: {  	(tag) =	ssettag $0x2  }
0x50: {  	s0 =	rddreg [dreg:$0x0];
	s2 =	stileid.u32  }
0x51: {  	s1 =	rddreg [dreg:$0x1];
	p0 =	sne.s32 s2, $0x0  }
0x52: {  	s3 =	rddreg [dreg:$0x2];
	[bflag:$0x3] =	sbarrier.arrive $0xFFFF;
	s2 =	simm.s32 @!p0 $0x1C01  }
0x53: {  	[timem:s3], [sflag:s2] =	dma.local @!p0 [hbm:s0], s1  }
0x54: {  	s0 =	simm.s32 @!p0 $0x1  }
0x55: {  	_ =	swait.ge @!p0 [sflag:s0], s1  }
0x56: {  	s1 =	ssub.s32 @!p0 $0x0, s1;
	[sflag:s0] =	ssyncset.done @!p0 $0x0  }
0x57: {  	[sflag:s0] =	ssyncadd.s32 @!p0 s1  }
0x58: {  	[bflag:$0x3] =	sbarrier.arrive $0xFFFF  }
0x59: {  	_ =	shalt  }

// kernel: sparse-core-data-format-call.cloned.1.call-start
scs
called_computation_lowered:
.L_overlay_start_0:
0x0: {  	s2 =	sld [smem:$0x3FD9]  }
0x1: {  	s3 =	sld [smem:$0x3FFE];
	_ =	sdelay $0x1  }
0x2: {  	s1 =	srdreg.scid  }
0x3: {  	s0 =	sand.u32 $0x1, s1  }
0x4: {  	s15 =	sshll.u32 s0, $0xA;
	s2 =	sadd.s32 s3, s2  }
0x5: {  	s2 =	sadd.s32 s2, s15  }
0x6: {  	[smem:$0x3FC6] =	sst s2  }
0x7: {  	_ = 	snop  }
0x8: {  	s2 =	sld [smem:$0x3FD0];
	_ =	sdelay $0x2  }
0x9: {  	s16 =	simm.s32 $0xA;
	s4 =	simm.s32 $0x10  }
0xa: {  	[smem:s4], [sflag:s16] =	dma.local [hbm:s2], $0x1  }
0xb: {  	_ =	swait.eq [sflag:s16], $0x1  }
0xc: {  	[sflag:s16] =	ssyncset.done $0x0  }
0xd: {  	[sflag:s16] =	ssyncadd.s32 $0xFFFFFFFF  }
0xe: {  	s17 =	sld [smem:$0x10];
	(tm) =	ssettm $0x1  }
0xf: {  	s18 =	sld [smem:$0x3FFB];
	_ =	sdelay $0x3  }
0x10: {  	_ =	strace s18  }
0x11: {  	s3 =	sld [smem:$0x3FFC];
	_ =	sdelay $0x3  }
0x12: {  	_ =	strace s3  }
0x13: {  	s3 =	sld [smem:$0x3FFD];
	_ =	sdelay $0x3  }
0x14: {  	_ =	strace s3  }
0x15: {  	_ =	strace $0x8FFFFFFF  }
0x16: {  	s19 =	sld [smem:$0x3FDB];
	_ =	sdelay $0x1  }
0x17: {  	s20 =	simm.s32 $_scs_section_size  }
0x18: {  	s5 =	simm.s32 $_size__tile_overlayer_lowered;
	s6 =	simm.s32 $_tile_overlayer_lowered  }
0x19: {  	s23 =	simm.s32 $0x1BFF;
	s22 =	sshll.u32 s6, $0x1;
	s3 =	sadd.s32 s20, s19  }
0x1a: {  	s7 =	simm.s32 $0x0;
	s21 =	sshll.u32 s5, $0x1;
	s5 =	sadd.s32 s22, s3  }
0x1b: {  	[timem:s7], [sflag:s23] =	dma.local [hbm:s5], s21  }
0x1c: {  	_ =	swait.ge [sflag:s23], s21  }
0x1d: {  	s4 =	ssub.s32 $0x0, s21;
	[sflag:s23] =	ssyncset.done $0x0  }
0x1e: {  	[sflag:s23] =	ssyncadd.s32 s4;
	_ =	sdelay $0x1  }
0x1f: {  	s24 =	simm.s32 $0x1B8B  }
0x20: {  	_ =	swait.ge [sflag:s24], $0x1  }
0x21: {  	[sflag:s24] =	ssyncset.done $0x0  }
0x22: {  	s26 =	simm.s32 $0x1B8E;
	s25 =	sld [smem:$0x3FFE];
	[sflag:s24] =	ssyncadd.s32 $0xFFFFFFFF  }
0x23: {  	s27 =	simm.s32 $execute0_lowered;
	[smem:$0x3FD2] =	sst s26  }
0x24: {  	s5 =	sshll.u32 s27, $0x1;
	_ =	strace $0x80000049;
	[dreg:$0x1] =	wrdreg $0xFFFFFFFF  }
0x25: {  	s28 =	simm.s32 $_size_execute0_lowered;
	s3 =	sadd.s32 s3, s5;
	[dreg:$0x0] =	wrdreg $0x0  }
0x26: {  	s5 =	sshll.u32 s28, $0x1;
	[dreg:$0x2] =	wrdreg s3  }
0x27: {  	[dreg:$0x3] =	wrdreg s5  }
0x28: {  	[dreg:$0x4] =	wrdreg $0xC0  }
0x29: {  	_ =	task [dreg:s7], $0x5FFFF  }
0x2a: {  	[dreg:$0x1] =	wrdreg $0xFFFFFFFF  }
0x2b: {  	[dreg:$0x0] =	wrdreg $0x60  }
0x2c: {  	[dreg:$0x2] =	wrdreg s25  }
0x2d: {  	[dreg:$0x3] =	wrdreg s17  }
0x2e: {  	[dreg:$0x4] =	wrdreg $0x9  }
0x2f: {  	_ =	task.clear_ibuf [dreg:s7], $0x5FFFF;
	_ =	strace $0x90000049  }
0x30: {  	s29 =	simm.s32 $0x9;
	_ =	strace $0x8000004B  }
0x31: {  	_ =	swait.ge [sflag:s29], $0x1  }
0x32: {  	[sflag:s29] =	ssyncadd.s32 $0xFFFFFFFF  }
0x33: {  	_ =	strace $0x9000004B  }
0x34: {  	_ =	sfence  }
0x35: {  	s30 =	sld [smem:$0x0];
	_ =	sdelay $0x2  }
0x36: {  	s31 =	sshll.u32 s1, $0xD;
	s1 =	sshrl.u32 s1, $0x2  }
0x37: {  	s3 =	sand.u32 $0x4000, s31;
	s1 =	sadd.s32 s1, s30  }
0x38: {  	s0 =	sor.u32 s3, s0;
	s1 =	sshll.u32 s1, $0x11  }
0x39: {  	s0 =	sor.u32 s1, s0  }
0x3a: {  	s0 =	sadd.s32 $0x8F2B, s0  }
0x3b: {  	[sflag:s0] =	ssyncadd.remote.s32 $0x1  }
0x3c: {  	_ =	sfence.sel $0xFFFF  }
0x3d: {  	[dreg:$0x0] =	wrdreg $0xFFFFFFFF;
	(pc) =	sbr.abs _section_cstart, $3  }
0x3e: {  	[dreg:$0x1] =	wrdreg $0xFFFFFFFF  }
0x3f: {  	_ =	task.clear_ibuf [dreg:s7], $0x2FFFF;
	_ =	strace $0x9FFFFFFF  }
0x40: {  	(tm) =	ssettm $0x7FFFFFFF  }
0x41: {  	_ =	shalt  }
tec
execute0_lowered:
.L_overlay_start_1:
0x0: {  	(tag) =	ssettag $0x1  }
0x1: {  	s3 =	rddreg [dreg:$0x0]  }
0x2: {  	s0 =	srdreg.scid;
	s1 =	rddreg [dreg:$0x1]  }
0x3: {  	s5 =	simm.s32 $0x1;
	s7 =	simm.s32 $0x2;
	s15 =	simm.s32 $0x0  }
0x4: {  	p0 =	por $0x0, $0x0;
	s13 =	simm.s32 $0x0;
	s14 =	simm.s32 $0x0  }
0x5: {  	s9 =	simm.s32 $0x0;
	s11 =	stileid.u32;
	s0 =	sshll.u32 s0, $0x7  }
0x6: {  	s12 =	simm.s32 $0x0;
	s2 =	sand.u32 $0x80, s0;
	s0 =	rddreg [dreg:$0x2]  }
.Ltmp0:
0x7: {  	_ =	strace $0x8000004A;
	s6 =	ssub.s32 $0x800, s2;
	(pc) =	sbr.rel .LBB1_1-.Ltmp0, $4  }
0x8: {  	s4 =	sadd.s32 $0x800, s3;
	[sflag:s5] =	ssyncpa.u1 $0x0;
	s31 =	sshrl.u32 s6, $0x7  }
0x9: {  	s10 =	smov.u32 s2;
	s6 =	sshrl.u32 s6, $0x8;
	s3 =	sand.u32 $0x1, s31  }
0xa: {  	[sflag:s7] =	ssyncpa.u1 $0x0;
	s8 =	sadd.s32 s6, s3;
	s3 =	stileid.u32  }
0xb: {  	s6 =	sshll.u32 s8, $0x1;
	s7 =	sshllo.u32 s8, $0x1;
	s8 =	simm.s32 $0x4000  }
.LBB1_4:
0xc: {  	v5 =	vld [tilespmem:s18+$0xFFFFFFD0];
	[tilespmem:s19+$0x2040 ss:$0x81] =	vst.msk $0xffff, v1  }
0xd: {  	v58 =	vld [tilespmem:s18+$0xFFFFFFE0];
	[tilespmem:s19+$0x2850 ss:$0x81] =	vst.msk $0xffff, v2  }
0xe: {  	s20 =	sshra.s32 s20, $0x2;
	v59 =	vld [tilespmem:s18+$0xFFFFFFF0];
	[tilespmem:s19+$0x3060 ss:$0x81] =	vst.msk $0xffff, v3  }
0xf: {  	v60 =	vld [tilespmem:s18+$0x0];
	[tilespmem:s19+$0x0 ss:$0x81] =	vst.msk $0xffff, v0;
	s17 =	sadd.s32 s20, s17  }
0x10: {  	v61 =	vld [tilespmem:s18+$0x10];
	s26 =	sshll.u32 s15, $0xB;
	[tilespmem:s17+$0x3870 ss:$0x81] =	vst.msk $0xffff, v4  }
0x11: {  	v62 =	vld [tilespmem:s18+$0x20];
	s27 =	sand.u32 $0x78, s13;
	s21 =	sshll.u32 s13, $0x3;
	s29 =	sshll.u32 s15, $0x7;
	[tilespmem:s17+$0x810 ss:$0x81] =	vst.msk $0xffff, v5  }
0x12: {  	v63 =	vld [tilespmem:s18+$0xFFFFFFC0];
	s14 =	sshll.u32 s14, $0x10;
	s19 =	sand.u32 $0x7C000, s26;
	s28 =	sand.u32 $0x7FC00, s21;
	[tilespmem:s17+$0x1020 ss:$0x81] =	vst.msk $0xffff, v58  }
0x13: {  	s31 =	sand.u32 $0x7, s13;
	s21 =	sand.u32 $0x400, s21;
	s18 =	sadd.s32 s28, s19;
	[tilespmem:s17+$0x1830 ss:$0x81] =	vst.msk $0xffff, v59  }
0x14: {  	s15 =	sand.u32 $0x380, s29;
	s30 =	sor.u32 s27, s21;
	s18 =	sshrl.u32 s18, $0x3;
	[tilespmem:s17+$0x2040 ss:$0x81] =	vst.msk $0xffff, v60  }
0x15: {  	s14 =	sadd.s32 s1, s14;
	s15 =	sor.u32 s15, s30;
	s18 =	sand.u32 $0xFF00, s18;
	[tilespmem:s17+$0x2850 ss:$0x81] =	vst.msk $0xffff, v61  }
0x16: {  	s13 =	sshll.u32 s31, $0x12;
	s15 =	sshrl.u32 s15, $0x3;
	[tilespmem:s17+$0x3060 ss:$0x81] =	vst.msk $0xffff, v62;
	s14 =	sadd.s32 s18, s14  }
0x17: {  	s13 =	sor.u32 $0x400, s13;
	[tilespmem:s17+$0x0 ss:$0x81] =	vst.msk $0xffff, v63;
	s14 =	sadd.s32 s15, s14  }
0x18: {  	[hbm4b:s14+s13] =	stream.strided.scatter [tilespmem:s16], [sflag:$0x2], $0x4000, s8, s13, $0x20;
	[tilespmem:$0x10100] =	vst v63  }
.LBB1_5:
0x19: {  	s16 =	sadd.s32 $0x80, s9  }
0x1a: {  	s13 =	sadd.s32 $0x100, s10;
	s17 =	smov.u32 s10;
	p2 =	sgt.s32 s16, $0xFF  }
0x1b: {  	s17 =	smov.u32 @p2 s13  }
0x1c: {  	s19 =	smov.u32 s11;
	s13 =	sadd.s32 $0x10, s11;
	p3 =	sgt.s32 s17, $0x7FF  }
0x1d: {  	s19 =	smov.u32 @p3 s13  }
0x1e: {  	s16 =	simm.s32 @p2 $0x0;
	p2 =	sgt.s32 s19, $0xF  }
0x1f: {  	p1 =	slt.u32 s12, $0x2;
	s19 =	smov.u32 @p2 s3;
	p2 =	sne.s32 s12, s7  }
.Ltmp1:
0x20: {  	s18 =	simm.s32 @!p1 $0x2;
	(pc) =	sbr.rel @!p2 .LBB1_6-.Ltmp1, $4  }
0x21: {  	s15 =	smov.u32 s9;
	s14 =	smov.u32 s11;
	_ =	swait.ge @!p1 [sflag:s18], $0x4000  }
0x22: {  	p0 =	por !p0, !p0;
	[sflag:s18] =	ssyncset.done @!p1 $0x0;
	s9 =	smov.u32 s16  }
0x23: {  	s17 =	smov.u32 @p3 s2;
	s13 =	smov.u32 s10;
	[sflag:s18] =	ssyncadd.s32 @!p1 $0xFFFFC000  }
0x24: {  	s10 =	smov.u32 s17;
	s12 =	sadd.s32 $0x1, s12;
	s11 =	smov.u32 s19  }
.LBB1_1:
0x25: {  	p1 =	sge.u32 s12, s6  }
0x26: {  	s31 =	sadd.s32 $0xFFFFFFFF, s12;
	s16 =	sxor.u32 @!p1 $0xFFFFFFFF, s12  }
0x27: {  	s17 =	sshll.u32 @!p1 s10, $0x8;
	s18 =	sshll.u32 @!p1 s9, $0x3;
	s19 =	sshll.u32 @!p1 s10, $0x7  }
0x28: {  	s20 =	sand.u32 @!p1 $0x78, s9;
	s17 =	sand.u32 @!p1 $0x7F800, s17;
	s18 =	sand.u32 @!p1 $0x7FC00, s18  }
0x29: {  	s16 =	sshll.u32 @!p1 s16, $0xE;
	s17 =	sadd.s32 @!p1 s17, s18;
	s18 =	sand.u32 @!p1 $0x300, s19  }
0x2a: {  	s16 =	sand.u32 @!p1 $0x4000, s16;
	s17 =	sor.u32 @!p1 s18, s17;
	s18 =	sand.u32 @!p1 $0x80, s19  }
0x2b: {  	s19 =	sshll.u32 @!p1 s11, $0x10;
	s18 =	sor.u32 @!p1 s20, s18;
	s17 =	sshrl.u32 @!p1 s17, $0x3  }
0x2c: {  	s19 =	sadd.s32 @!p1 s4, s19;
	s20 =	sand.u32 @!p1 $0x7, s9;
	s18 =	sshrl.u32 @!p1 s18, $0x3  }
0x2d: {  	s17 =	sand.u32 @!p1 $0xFFE0, s17;
	s18 =	sadd.s32 @!p1 s18, s19;
	s19 =	sshll.u32 @!p1 s20, $0x12  }
0x2e: {  	s17 =	sadd.s32 @!p1 s17, s18;
	s18 =	sor.u32 @!p1 $0x400, s19;
	s19 =	simm.s32 @!p1 $0x800  }
0x2f: {  	[tilespmem:s16], [sflag:$0x1] =	stream.strided.gather @!p1 [hbm4b:s17+s18], $0x4000, s19, s18, $0x38;
	[tilespmem:$0x10100] =	vst v63  }
0x30: {  	p1 =	sge.u32 s31, s6  }
.Ltmp2:
0x31: {  	_ = 	snop;
	(pc) =	sbr.rel @p1 .LBB1_5-.Ltmp2, $1  }
0x32: {  	_ =	sdelay $0x3  }
0x33: {  	s16 =	simm.s32 $0x1  }
0x34: {  	_ =	swait.ge [sflag:s5], $0x4000;
	s16 =	simm.s32 @!p0 $0x0  }
0x35: {  	[sflag:s5] =	ssyncset.done $0x0;
	s17 =	sshll.u32 s16, $0xE  }
0x36: {  	[sflag:s5] =	ssyncadd.s32 $0xFFFFC000;
	s18 =	sor.u32 $0x40, s17  }
0x37: {  	s16 =	smul.u32 $0x10200, s16;
	v0 =	vld [tilespmem:s18+$0x30]  }
0x38: {  	v3 =	vld [tilespmem:s18+$0xFFFFFFD0]  }
0x39: {  	s16 =	sshrl.u32 s16, $0x2;
	v4 =	vld [tilespmem:s18+$0xFFFFFFE0]  }
0x3a: {  	v5 =	vld [tilespmem:s18+$0xFFFFFFF0];
	s17 =	sor.u32 $0x8000, s16  }
0x3b: {  	s31 =	sand.u32 $0x1, s12;
	v1 =	vld [tilespmem:s18+$0x0];
	s19 =	sadd.s32 $0x0, s17  }
0x3c: {  	v2 =	vld [tilespmem:s18+$0x10];
	s16 =	smul.u32 $0x10200, s31;
	[tilespmem:s19+$0x3870 ss:$0x81] =	vst.msk $0xffff, v0  }
0x3d: {  	[tilespmem:s19+$0x810 ss:$0x81] =	vst.msk $0xffff, v3;
	v3 =	vld [tilespmem:s18+$0x20]  }
0x3e: {  	s16 =	sshrl.u32 s16, $0x2;
	v0 =	vld [tilespmem:s18+$0xFFFFFFC0];
	[tilespmem:s19+$0x1020 ss:$0x81] =	vst.msk $0xffff, v4;
	s18 =	sadd.s32 $0x80, s18  }
0x3f: {  	s20 =	simm.s32 $0x4;
	s21 =	simm.s32 $0x8;
	s16 =	sor.u32 $0x8000, s16;
	[tilespmem:s19+$0x1830 ss:$0x81] =	vst.msk $0xffff, v5;
	v4 =	vld [tilespmem:s18+$0x30]  }
.LBB1_3:
0x40: {  	p1 =	sne.s32 s21, $0x1FC;
	v5 =	vld [tilespmem:s18+$0xFFFFFFD0];
	[tilespmem:s19+$0x2040 ss:$0x81] =	vst.msk $0xffff, v1  }
0x41: {  	v6 =	vld [tilespmem:s18+$0xFFFFFFE0];
	[tilespmem:s19+$0x2850 ss:$0x81] =	vst.msk $0xffff, v2  }
0x42: {  	s22 =	sshra.s32 s20, $0x2;
	s20 =	smov.u32 s21;
	v7 =	vld [tilespmem:s18+$0xFFFFFFF0];
	[tilespmem:s19+$0x3060 ss:$0x81] =	vst.msk $0xffff, v3  }
.Ltmp3:
0x43: {  	v1 =	vld [tilespmem:s18+$0x0];
	[tilespmem:s19+$0x0 ss:$0x81] =	vst.msk $0xffff, v0;
	s19 =	sadd.s32 s22, s17;
	(pc) =	sbr.rel @p1 .LBB1_3-.Ltmp3, $4  }
0x44: {  	v2 =	vld [tilespmem:s18+$0x10];
	[tilespmem:s19+$0x3870 ss:$0x81] =	vst.msk $0xffff, v4  }
0x45: {  	[tilespmem:s19+$0x810 ss:$0x81] =	vst.msk $0xffff, v5;
	v3 =	vld [tilespmem:s18+$0x20]  }
0x46: {  	v0 =	vld [tilespmem:s18+$0xFFFFFFC0];
	[tilespmem:s19+$0x1020 ss:$0x81] =	vst.msk $0xffff, v6;
	s18 =	sadd.s32 $0x80, s18  }
0x47: {  	s21 =	sadd.s32 $0x4, s21;
	v4 =	vld [tilespmem:s18+$0x30];
	[tilespmem:s19+$0x1830 ss:$0x81] =	vst.msk $0xffff, v7  }
.Ltmp4:
0x48: {  	_ = 	snop;
	(pc) =	sbr.rel .LBB1_4-.Ltmp4, $1  }
0x49: {  	_ =	sdelay $0x3  }
.LBB1_6:
0x4a: {  	_ =	sfence.sel $0x180000  }
0x4b: {  	s1 =	simm.s32 $0x1;
	[bflag:$0x0] =	sbarrier.arrive $0xFFFF  }
0x4c: {  	s31 =	simm.s32 $0x2;
	[sflag:s1] =	ssyncpa.u1 $0x1  }
0x4d: {  	[sflag:s31] =	ssyncpa.u1 $0x1  }
0x4e: {  	p0 =	sne.s32 s3, $0x0;
	_ =	strace $0x9000004A  }
0x4f: {  	s0 =	sadd.s32 @!p0 $0x100000, s0;
	[bflag:$0x2] =	sbarrier.arrive $0xFFFF  }
0x50: {  	[sflag:s0] =	ssyncadd.tile.s32 @!p0 $0x1;
	_ =	shalt  }
.Lfunc_end1:
_tile_overlayer_lowered:
.L_overlay_start_2:
0x51: {  	(tag) =	ssettag $0x2  }
0x52: {  	s0 =	rddreg [dreg:$0x0];
	s2 =	stileid.u32  }
0x53: {  	s1 =	rddreg [dreg:$0x1];
	p0 =	sne.s32 s2, $0x0  }
0x54: {  	s3 =	rddreg [dreg:$0x2];
	[bflag:$0x3] =	sbarrier.arrive $0xFFFF;
	s2 =	simm.s32 @!p0 $0x1C01  }
0x55: {  	[timem:s3], [sflag:s2] =	dma.local @!p0 [hbm:s0], s1  }
0x56: {  	s0 =	simm.s32 @!p0 $0x1  }
0x57: {  	_ =	swait.ge @!p0 [sflag:s0], s1  }
0x58: {  	s1 =	ssub.s32 @!p0 $0x0, s1;
	[sflag:s0] =	ssyncset.done @!p0 $0x0  }
0x59: {  	[sflag:s0] =	ssyncadd.s32 @!p0 s1  }
0x5a: {  	[bflag:$0x3] =	sbarrier.arrive $0xFFFF  }
0x5b: {  	_ =	shalt  }

</sc_bundles>
